<compile_context>
chip_gen: v7x
topology: tpu7x:2x2x1
jax: 0.10.2.dev20260603
libtpu: 0.0.44.dev20260713+nightly
codegen_flags: <defaults>
</compile_context>

<pallas_src>
import functools

import jax
import jax.numpy as jnp
from jax import lax
from jax.experimental import pallas as pl
from jax.experimental.pallas import tpu as pltpu
from jax.experimental.pallas import tpu_sc as plsc

N_NODES_C = 10000
N_PAD = 10240
N_EDGES_C = 320000
D = 128

NC = 2
NS = 16
NW = NC * NS
E_PER_W = N_EDGES_C // NW
CHUNK = 80
N_CHUNKS = E_PER_W // CHUNK
ROWS_PER_TILE = N_PAD // NS


def _make_edge_layer(compose: bool):
  mesh = plsc.VectorSubcoreMesh(core_axis_name="c", subcore_axis_name="s")

  scratch = (
      [
          pltpu.VMEM_SHARED((N_PAD, D), jnp.float32),
          pltpu.VMEM((CHUNK,), jnp.int32),
          pltpu.VMEM((CHUNK,), jnp.int32),
          pltpu.VMEM((CHUNK,), jnp.int32),
          pltpu.VMEM((CHUNK, D), jnp.float32),
      ]
      + ([pltpu.VMEM((N_NODES_C,), jnp.int32)] if compose else [])
      + [pltpu.SemaphoreType.DMA, pltpu.SemaphoreType.DMA]
  )

  @functools.partial(
      pl.kernel,
      mesh=mesh,
      compiler_params=pltpu.CompilerParams(needs_layout_passes=False),
      out_type=jax.ShapeDtypeStruct((NC, N_PAD, D), jnp.float32),
      scratch_types=scratch,
  )
  def edge_layer(ids_hbm, src_hbm, dst_hbm, table_hbm, zeros_hbm, out_hbm,
                 acc, src_v, dst_v, eff_v, rows_v, *rest):
    if compose:
      ids_v, rest = rest[0], rest[1:]
    sem, semd = rest[0], rest[1]
    c = lax.axis_index("c")
    s = lax.axis_index("s")
    wid = c * NS + s

    row0 = s * ROWS_PER_TILE
    pltpu.sync_copy(zeros_hbm.at[pl.ds(row0, ROWS_PER_TILE)],
                    acc.at[pl.ds(row0, ROWS_PER_TILE)])
    if compose:
      pltpu.sync_copy(ids_hbm, ids_v)
    plsc.subcore_barrier()

    def body(k, carry):
      off = wid * E_PER_W + k * CHUNK
      dst_cp = pltpu.make_async_copy(dst_hbm.at[pl.ds(off, CHUNK)], dst_v,
                                     semd)
      dst_cp.start()
      pltpu.sync_copy(src_hbm.at[pl.ds(off, CHUNK)], src_v)
      if compose:
        for j in range(CHUNK // 16):
          idx = src_v[pl.ds(j * 16, 16)]
          eff_v[pl.ds(j * 16, 16)] = plsc.load_gather(ids_v, [idx])
        gather_idx = eff_v
      else:
        gather_idx = src_v
      pltpu.async_copy(table_hbm.at[gather_idx], rows_v, sem).wait()
      dst_cp.wait()
      pltpu.sync_copy(rows_v, acc.at[dst_v], add=True)
      return carry

    lax.fori_loop(0, N_CHUNKS, body, 0)
    plsc.subcore_barrier()

    pltpu.sync_copy(acc.at[pl.ds(row0, ROWS_PER_TILE)],
                    out_hbm.at[c, pl.ds(row0, ROWS_PER_TILE)])

  return edge_layer


_edge_layer1 = _make_edge_layer(compose=True)
_edge_layer2 = _make_edge_layer(compose=False)


def _dense_relu_kernel(p_ref, w_ref, b_ref, o_ref):
  h = p_ref[0] + p_ref[1]
  o_ref[...] = jax.nn.relu(
      jnp.dot(h, w_ref[...], preferred_element_type=jnp.float32) + b_ref[...])


def _dense_head_kernel(p_ref, w_ref, b_ref, wo_ref, bo_ref, o_ref):
  h = p_ref[0] + p_ref[1]
  h2 = jax.nn.relu(
      jnp.dot(h, w_ref[...], preferred_element_type=jnp.float32) + b_ref[...])
  o_ref[...] = jax.nn.sigmoid(
      jnp.dot(h2, wo_ref[...], preferred_element_type=jnp.float32)
      + bo_ref[...])


_ROWS_BLK = 2048


def _dense_relu(partials, w, b):
  return pl.pallas_call(
      _dense_relu_kernel,
      grid=(N_PAD // _ROWS_BLK,),
      in_specs=[
          pl.BlockSpec((NC, _ROWS_BLK, D), lambda i: (0, i, 0)),
          pl.BlockSpec((D, D), lambda i: (0, 0)),
          pl.BlockSpec((1, D), lambda i: (0, 0)),
      ],
      out_specs=pl.BlockSpec((_ROWS_BLK, D), lambda i: (i, 0)),
      out_shape=jax.ShapeDtypeStruct((N_PAD, D), jnp.float32),
  )(partials, w, b.reshape(1, D))


def _dense_head(partials, w, b, wout, bout):
  return pl.pallas_call(
      _dense_head_kernel,
      grid=(N_PAD // _ROWS_BLK,),
      in_specs=[
          pl.BlockSpec((NC, _ROWS_BLK, D), lambda i: (0, i, 0)),
          pl.BlockSpec((D, D), lambda i: (0, 0)),
          pl.BlockSpec((1, D), lambda i: (0, 0)),
          pl.BlockSpec((D, 1), lambda i: (0, 0)),
          pl.BlockSpec((1, 1), lambda i: (0, 0)),
      ],
      out_specs=pl.BlockSpec((_ROWS_BLK, 1), lambda i: (i, 0)),
      out_shape=jax.ShapeDtypeStruct((N_PAD, 1), jnp.float32),
  )(partials, w, b.reshape(1, D), wout, bout.reshape(1, 1))


@jax.jit
def kernel(cncpt_ids, edge_index, concept_table, W1, b1, W2, b2, Wout, bout):
  src = edge_index[0]
  dst = edge_index[1]
  zeros = jnp.zeros((N_PAD, D), jnp.float32)

  p1 = _edge_layer1(cncpt_ids, src, dst, concept_table, zeros)
  h1 = _dense_relu(p1, W1, b1)
  p2 = _edge_layer2(cncpt_ids, src, dst, h1, zeros)
  logits = _dense_head(p2, W2, b2, Wout, bout)
  return logits[None, :N_NODES_C, :]

# --- scband reference (transcript-rebuilt; emitter-appended) ---
"""Pipeline reference for scband-knowledge-aware-graph-networks-29738353558006 (READ-ONLY COPY).

The authoritative reference and input builder live on the scoring server;
editing this copy changes nothing except your own understanding.
"""

import jax, jax.numpy as jnp
import numpy as np

N_NODES = 10000
N_EDGES = 320000
D_FEAT = 128
D_HID = 128
D_OUT = 128


def setup_inputs(seed: int = 0) -> dict:
    key = jax.random.key(seed)
    ks = jax.random.split(key, 10)
    cncpt_ids = jax.random.randint(ks[0], (N_NODES,), 0, N_NODES)
    edge_index = jax.random.randint(ks[1], (2, N_EDGES), 0, N_NODES)
    concept_table = jax.random.normal(ks[2], (N_NODES, D_FEAT), dtype=jnp.float32) * 0.02
    W1 = jax.random.normal(ks[3], (D_FEAT, D_HID), dtype=jnp.float32) * (1.0 / np.sqrt(D_FEAT))
    b1 = jax.random.normal(ks[4], (D_HID,), dtype=jnp.float32) * 0.01
    W2 = jax.random.normal(ks[5], (D_HID, D_OUT), dtype=jnp.float32) * (1.0 / np.sqrt(D_HID))
    b2 = jax.random.normal(ks[6], (D_OUT,), dtype=jnp.float32) * 0.01
    Wout = jax.random.normal(ks[7], (D_OUT, 1), dtype=jnp.float32) * (1.0 / np.sqrt(D_OUT))
    bout = jax.random.normal(ks[8], (1,), dtype=jnp.float32) * 0.01
    return {
        "cncpt_ids": cncpt_ids,
        "edge_index": edge_index,
        "concept_table": concept_table,
        "W1": W1, "b1": b1,
        "W2": W2, "b2": b2,
        "Wout": Wout, "bout": bout,
    }


def reference(cncpt_ids, edge_index, concept_table, W1, b1, W2, b2, Wout, bout):
    # GCN_Encoder: embedding lookup of concept ids (gather)
    feats = jnp.take(concept_table, cncpt_ids, axis=0)
    src = edge_index[0]
    dst = edge_index[1]
    # GraphConvLayer 1: copy_src -> sum reduce (gather + scatter-add), then Linear+ReLU
    m1 = jnp.take(feats, src, axis=0)
    h1 = jax.ops.segment_sum(m1, dst, num_segments=N_NODES)
    h1 = jax.nn.relu(h1 @ W1 + b1)
    # GraphConvLayer 2
    m2 = jnp.take(h1, src, axis=0)
    h2 = jax.ops.segment_sum(m2, dst, num_segments=N_NODES)
    h2 = jax.nn.relu(h2 @ W2 + b2)
    # KnowledgeAwareGraphNetworks head: stack single graph vec set -> Linear(graph_output_dim, 1) + Sigmoid
    stacked = h2[None, :, :]  # torch.stack(final_vecs), len==1
    logits = jax.nn.sigmoid(stacked @ Wout + bout)
    return logits

if __name__ == "__main__":
    import jax
    _d = setup_inputs()
    print(jax.jit(kernel)(*tuple(_d.values())))

</pallas_src>

<mosaic_0001>
#map = affine_map<(d0, d1) -> (0)>
#map1 = affine_map<(d0, d1) -> (0, 0)>
#map2 = affine_map<(d0, d1) -> (0, 0, 0)>
module attributes {stable_mosaic.version = 14 : i64} {
  func.func @edge_layer(%arg0: i32, %arg1: i32, %arg2: memref<10000xi32, #tpu.memory_space<hbm>>, %arg3: memref<320000xi32, #tpu.memory_space<hbm>>, %arg4: memref<320000xi32, #tpu.memory_space<hbm>>, %arg5: memref<10240x128xf32, #tpu.memory_space<hbm>>, %arg6: memref<10240x128xf32, #tpu.memory_space<hbm>>, %arg7: memref<2x10240x128xf32, #tpu.memory_space<hbm>>, %arg8: memref<10240x128xf32, #tpu.memory_space<vmem_shared>>, %arg9: memref<80xi32, #tpu.memory_space<vmem>>, %arg10: memref<80xi32, #tpu.memory_space<vmem>>, %arg11: memref<80xi32, #tpu.memory_space<vmem>>, %arg12: memref<80x128xf32, #tpu.memory_space<vmem>>, %arg13: memref<!tpu.dma_semaphore, #tpu.memory_space<semaphore_mem>>, %arg14: memref<!tpu.dma_semaphore, #tpu.memory_space<semaphore_mem>>) attributes {dimension_semantics = [#tpu.dimension_semantics<core_parallel>, #tpu.dimension_semantics<subcore_parallel>], iteration_bounds = array<i64: 2, 16>, scalar_prefetch = 0 : i64, scratch_operands = 7 : i64, tpu.core_type = #tpu.core_type<sc_vector_subcore>, window_params = [{transform_indices = #map}, {transform_indices = #map}, {transform_indices = #map}, {transform_indices = #map1}, {transform_indices = #map1}, {transform_indices = #map2}]} {
    %mul3A = arith.constant 16 : i32
    %mul3A_0 = arith.muli %arg0, %mul3A : i32
    %add3A = arith.addi %mul3A_0, %arg1 : i32
    %mul3A_1 = arith.constant 640 : i32
    %mul3A_2 = arith.muli %arg1, %mul3A_1 : i32
    "tpu.region"() ({
      %run_scoped3A = tpu.sem_alloc : memref<!tpu.dma_semaphore, #tpu.memory_space<semaphore_mem>>
      %dma_start3A = arith.constant 0 : i32
      %dma_start3A_9 = tpu.memref_slice %arg8[%mul3A_2, %dma_start3A] : memref<10240x128xf32, #tpu.memory_space<vmem_shared>> -> memref<640x128xf32, #tpu.memory_space<vmem_shared>>
      %dma_start3A_10 = arith.constant 0 : i32
      %dma_start3A_11 = tpu.memref_slice %arg6[%mul3A_2, %dma_start3A_10] : memref<10240x128xf32, #tpu.memory_space<hbm>> -> memref<640x128xf32, #tpu.memory_space<hbm>>
      tpu.enqueue_dma source(%dma_start3A_11 : memref<640x128xf32, #tpu.memory_space<hbm>>) target(%dma_start3A_9 : memref<640x128xf32, #tpu.memory_space<vmem_shared>>) target_semaphore(%run_scoped3A : memref<!tpu.dma_semaphore, #tpu.memory_space<semaphore_mem>>)
      %dma_wait3A = arith.constant 0 : i32
      %dma_wait3A_12 = tpu.memref_slice %arg8[%mul3A_2, %dma_wait3A] : memref<10240x128xf32, #tpu.memory_space<vmem_shared>> -> memref<640x128xf32, #tpu.memory_space<vmem_shared>>
      %dma_wait3A_13 = arith.constant 0 : i32
      %dma_wait3A_14 = tpu.memref_slice %arg6[%mul3A_2, %dma_wait3A_13] : memref<10240x128xf32, #tpu.memory_space<hbm>> -> memref<640x128xf32, #tpu.memory_space<hbm>>
      tpu.wait_dma2 semaphore(%run_scoped3A : memref<!tpu.dma_semaphore, #tpu.memory_space<semaphore_mem>>) src(%dma_wait3A_14 : memref<640x128xf32, #tpu.memory_space<hbm>>) dst(%dma_wait3A_12 : memref<640x128xf32, #tpu.memory_space<vmem_shared>>)
      tpu.yield
    }) : () -> ()
    %barrier3A = arith.constant 0 : index
    tpu.barrier barrier_id(%barrier3A)
    %scan3A = arith.constant 0 : i32
    %scan3A_3 = arith.constant 0 : i32
    %scan3A_4 = arith.constant 125 : i32
    %scan3A_5 = arith.addi %scan3A_3, %scan3A_4 : i32
    %scan3A_6 = arith.constant 1 : i32
    scf.for %scan3A_9 = %scan3A_3 to %scan3A_5 step %scan3A_6  : i32 {
      %mul3A_10 = arith.constant 10000 : i32
      %mul3A_11 = arith.muli %add3A, %mul3A_10 : i32
      %mul3A_12 = arith.constant 80 : i32
      %mul3A_13 = arith.muli %scan3A_9, %mul3A_12 : i32
      %add3A_14 = arith.addi %mul3A_11, %mul3A_13 : i32
      %dma_start3A = tpu.memref_slice %arg4[%add3A_14] : memref<320000xi32, #tpu.memory_space<hbm>> -> memref<80xi32, #tpu.memory_space<hbm>>
      %dma_start3A_15 = tpu.memref_slice %arg4[%add3A_14] : memref<320000xi32, #tpu.memory_space<hbm>> -> memref<80xi32, #tpu.memory_space<hbm>>
      tpu.enqueue_dma source(%dma_start3A_15 : memref<80xi32, #tpu.memory_space<hbm>>) target(%arg10 : memref<80xi32, #tpu.memory_space<vmem>>) target_semaphore(%arg14 : memref<!tpu.dma_semaphore, #tpu.memory_space<semaphore_mem>>)
      "tpu.region"() ({
        %run_scoped3A = tpu.sem_alloc : memref<!tpu.dma_semaphore, #tpu.memory_space<semaphore_mem>>
        %dma_start3A_23 = tpu.memref_slice %arg3[%add3A_14] : memref<320000xi32, #tpu.memory_space<hbm>> -> memref<80xi32, #tpu.memory_space<hbm>>
        %dma_start3A_24 = tpu.memref_slice %arg3[%add3A_14] : memref<320000xi32, #tpu.memory_space<hbm>> -> memref<80xi32, #tpu.memory_space<hbm>>
        tpu.enqueue_dma source(%dma_start3A_24 : memref<80xi32, #tpu.memory_space<hbm>>) target(%arg9 : memref<80xi32, #tpu.memory_space<vmem>>) target_semaphore(%run_scoped3A : memref<!tpu.dma_semaphore, #tpu.memory_space<semaphore_mem>>)
        %dma_wait3A_25 = tpu.memref_slice %arg3[%add3A_14] : memref<320000xi32, #tpu.memory_space<hbm>> -> memref<80xi32, #tpu.memory_space<hbm>>
        %dma_wait3A_26 = tpu.memref_slice %arg3[%add3A_14] : memref<320000xi32, #tpu.memory_space<hbm>> -> memref<80xi32, #tpu.memory_space<hbm>>
        tpu.wait_dma2 semaphore(%run_scoped3A : memref<!tpu.dma_semaphore, #tpu.memory_space<semaphore_mem>>) src(%dma_wait3A_26 : memref<80xi32, #tpu.memory_space<hbm>>) dst(%arg9 : memref<80xi32, #tpu.memory_space<vmem>>)
        tpu.yield
      }) : () -> ()
      %dma_start3A_16 = arith.constant 0 : i32
      %dma_start3A_17 = arith.constant 0 : i32
      %dma_start3A_18 = tpu.memref_slice %arg5[%dma_start3A_16, %dma_start3A_17] : memref<10240x128xf32, #tpu.memory_space<hbm>> -> memref<10240x128xf32, #tpu.memory_space<hbm>>
      tpu.enqueue_indirect_dma source(%dma_start3A_18 : memref<10240x128xf32, #tpu.memory_space<hbm>>) target(%arg12 : memref<80x128xf32, #tpu.memory_space<vmem>>) offsets(%arg9 : memref<80xi32, #tpu.memory_space<vmem>>) semaphore(%arg13 : memref<!tpu.dma_semaphore, #tpu.memory_space<semaphore_mem>>)
      %dma_wait3A = arith.constant 0 : i32
      %dma_wait3A_19 = arith.constant 0 : i32
      %dma_wait3A_20 = tpu.memref_slice %arg5[%dma_wait3A, %dma_wait3A_19] : memref<10240x128xf32, #tpu.memory_space<hbm>> -> memref<10240x128xf32, #tpu.memory_space<hbm>>
      tpu.wait_indirect_dma semaphore(%arg13 : memref<!tpu.dma_semaphore, #tpu.memory_space<semaphore_mem>>) src(%dma_wait3A_20 : memref<10240x128xf32, #tpu.memory_space<hbm>>) dst(%arg12 : memref<80x128xf32, #tpu.memory_space<vmem>>)
      %dma_wait3A_21 = tpu.memref_slice %arg4[%add3A_14] : memref<320000xi32, #tpu.memory_space<hbm>> -> memref<80xi32, #tpu.memory_space<hbm>>
      %dma_wait3A_22 = tpu.memref_slice %arg4[%add3A_14] : memref<320000xi32, #tpu.memory_space<hbm>> -> memref<80xi32, #tpu.memory_space<hbm>>
      tpu.wait_dma2 semaphore(%arg14 : memref<!tpu.dma_semaphore, #tpu.memory_space<semaphore_mem>>) src(%dma_wait3A_22 : memref<80xi32, #tpu.memory_space<hbm>>) dst(%arg10 : memref<80xi32, #tpu.memory_space<vmem>>)
      "tpu.region"() ({
        %run_scoped3A = tpu.sem_alloc : memref<!tpu.dma_semaphore, #tpu.memory_space<semaphore_mem>>
        %dma_start3A_23 = arith.constant 0 : i32
        %dma_start3A_24 = arith.constant 0 : i32
        %dma_start3A_25 = tpu.memref_slice %arg8[%dma_start3A_23, %dma_start3A_24] : memref<10240x128xf32, #tpu.memory_space<vmem_shared>> -> memref<10240x128xf32, #tpu.memory_space<vmem_shared>>
        tpu.enqueue_indirect_dma source(%arg12 : memref<80x128xf32, #tpu.memory_space<vmem>>) target(%dma_start3A_25 : memref<10240x128xf32, #tpu.memory_space<vmem_shared>>) offsets(%arg10 : memref<80xi32, #tpu.memory_space<vmem>>) semaphore(%run_scoped3A : memref<!tpu.dma_semaphore, #tpu.memory_space<semaphore_mem>>) {add = true}
        %dma_wait3A_26 = arith.constant 0 : i32
        %dma_wait3A_27 = arith.constant 0 : i32
        %dma_wait3A_28 = tpu.memref_slice %arg8[%dma_wait3A_26, %dma_wait3A_27] : memref<10240x128xf32, #tpu.memory_space<vmem_shared>> -> memref<10240x128xf32, #tpu.memory_space<vmem_shared>>
        tpu.wait_indirect_dma semaphore(%run_scoped3A : memref<!tpu.dma_semaphore, #tpu.memory_space<semaphore_mem>>) src(%arg12 : memref<80x128xf32, #tpu.memory_space<vmem>>) dst(%dma_wait3A_28 : memref<10240x128xf32, #tpu.memory_space<vmem_shared>>)
        tpu.yield
      }) : () -> ()
    }
    %scan3A_7 = arith.constant 125 : i32
    %barrier3A_8 = arith.constant 0 : index
    tpu.barrier barrier_id(%barrier3A_8)
    "tpu.region"() ({
      %run_scoped3A = tpu.sem_alloc : memref<!tpu.dma_semaphore, #tpu.memory_space<semaphore_mem>>
      %dma_start3A = arith.constant 0 : i32
      %dma_start3A_9 = tpu.memref_slice %arg7[%arg0, %mul3A_2, %dma_start3A] : memref<2x10240x128xf32, #tpu.memory_space<hbm>> -> memref<1x640x128xf32, #tpu.memory_space<hbm>>
      %dma_start3A_10 = tpu.memref_squeeze %dma_start3A_9 : memref<1x640x128xf32, #tpu.memory_space<hbm>> -> memref<640x128xf32, #tpu.memory_space<hbm>>
      %dma_start3A_11 = arith.constant 0 : i32
      %dma_start3A_12 = tpu.memref_slice %arg8[%mul3A_2, %dma_start3A_11] : memref<10240x128xf32, #tpu.memory_space<vmem_shared>> -> memref<640x128xf32, #tpu.memory_space<vmem_shared>>
      tpu.enqueue_dma source(%dma_start3A_12 : memref<640x128xf32, #tpu.memory_space<vmem_shared>>) target(%dma_start3A_10 : memref<640x128xf32, #tpu.memory_space<hbm>>) target_semaphore(%run_scoped3A : memref<!tpu.dma_semaphore, #tpu.memory_space<semaphore_mem>>)
      %dma_wait3A = arith.constant 0 : i32
      %dma_wait3A_13 = tpu.memref_slice %arg7[%arg0, %mul3A_2, %dma_wait3A] : memref<2x10240x128xf32, #tpu.memory_space<hbm>> -> memref<1x640x128xf32, #tpu.memory_space<hbm>>
      %dma_wait3A_14 = tpu.memref_squeeze %dma_wait3A_13 : memref<1x640x128xf32, #tpu.memory_space<hbm>> -> memref<640x128xf32, #tpu.memory_space<hbm>>
      %dma_wait3A_15 = arith.constant 0 : i32
      %dma_wait3A_16 = tpu.memref_slice %arg8[%mul3A_2, %dma_wait3A_15] : memref<10240x128xf32, #tpu.memory_space<vmem_shared>> -> memref<640x128xf32, #tpu.memory_space<vmem_shared>>
      tpu.wait_dma2 semaphore(%run_scoped3A : memref<!tpu.dma_semaphore, #tpu.memory_space<semaphore_mem>>) src(%dma_wait3A_16 : memref<640x128xf32, #tpu.memory_space<vmem_shared>>) dst(%dma_wait3A_14 : memref<640x128xf32, #tpu.memory_space<hbm>>)
      tpu.yield
    }) : () -> ()
    return
  }
}

#map = affine_map<(d0, d1) -> (0)>
#map1 = affine_map<(d0, d1) -> (0, 0)>
#map2 = affine_map<(d0, d1) -> (0, 0, 0)>
module attributes {stable_mosaic.version = 14 : i64} {
  func.func @edge_layer(%arg0: i32, %arg1: i32, %arg2: memref<10000xi32, #tpu.memory_space<hbm>>, %arg3: memref<320000xi32, #tpu.memory_space<hbm>>, %arg4: memref<320000xi32, #tpu.memory_space<hbm>>, %arg5: memref<10000x128xf32, #tpu.memory_space<hbm>>, %arg6: memref<10240x128xf32, #tpu.memory_space<hbm>>, %arg7: memref<2x10240x128xf32, #tpu.memory_space<hbm>>, %arg8: memref<10240x128xf32, #tpu.memory_space<vmem_shared>>, %arg9: memref<80xi32, #tpu.memory_space<vmem>>, %arg10: memref<80xi32, #tpu.memory_space<vmem>>, %arg11: memref<80xi32, #tpu.memory_space<vmem>>, %arg12: memref<80x128xf32, #tpu.memory_space<vmem>>, %arg13: memref<10000xi32, #tpu.memory_space<vmem>>, %arg14: memref<!tpu.dma_semaphore, #tpu.memory_space<semaphore_mem>>, %arg15: memref<!tpu.dma_semaphore, #tpu.memory_space<semaphore_mem>>) attributes {dimension_semantics = [#tpu.dimension_semantics<core_parallel>, #tpu.dimension_semantics<subcore_parallel>], iteration_bounds = array<i64: 2, 16>, scalar_prefetch = 0 : i64, scratch_operands = 8 : i64, tpu.core_type = #tpu.core_type<sc_vector_subcore>, window_params = [{transform_indices = #map}, {transform_indices = #map}, {transform_indices = #map}, {transform_indices = #map1}, {transform_indices = #map1}, {transform_indices = #map2}]} {
    %mul3A = arith.constant 16 : i32
    %mul3A_0 = arith.muli %arg0, %mul3A : i32
    %add3A = arith.addi %mul3A_0, %arg1 : i32
    %mul3A_1 = arith.constant 640 : i32
    %mul3A_2 = arith.muli %arg1, %mul3A_1 : i32
    "tpu.region"() ({
      %run_scoped3A = tpu.sem_alloc : memref<!tpu.dma_semaphore, #tpu.memory_space<semaphore_mem>>
      %dma_start3A = arith.constant 0 : i32
      %dma_start3A_9 = tpu.memref_slice %arg8[%mul3A_2, %dma_start3A] : memref<10240x128xf32, #tpu.memory_space<vmem_shared>> -> memref<640x128xf32, #tpu.memory_space<vmem_shared>>
      %dma_start3A_10 = arith.constant 0 : i32
      %dma_start3A_11 = tpu.memref_slice %arg6[%mul3A_2, %dma_start3A_10] : memref<10240x128xf32, #tpu.memory_space<hbm>> -> memref<640x128xf32, #tpu.memory_space<hbm>>
      tpu.enqueue_dma source(%dma_start3A_11 : memref<640x128xf32, #tpu.memory_space<hbm>>) target(%dma_start3A_9 : memref<640x128xf32, #tpu.memory_space<vmem_shared>>) target_semaphore(%run_scoped3A : memref<!tpu.dma_semaphore, #tpu.memory_space<semaphore_mem>>)
      %dma_wait3A = arith.constant 0 : i32
      %dma_wait3A_12 = tpu.memref_slice %arg8[%mul3A_2, %dma_wait3A] : memref<10240x128xf32, #tpu.memory_space<vmem_shared>> -> memref<640x128xf32, #tpu.memory_space<vmem_shared>>
      %dma_wait3A_13 = arith.constant 0 : i32
      %dma_wait3A_14 = tpu.memref_slice %arg6[%mul3A_2, %dma_wait3A_13] : memref<10240x128xf32, #tpu.memory_space<hbm>> -> memref<640x128xf32, #tpu.memory_space<hbm>>
      tpu.wait_dma2 semaphore(%run_scoped3A : memref<!tpu.dma_semaphore, #tpu.memory_space<semaphore_mem>>) src(%dma_wait3A_14 : memref<640x128xf32, #tpu.memory_space<hbm>>) dst(%dma_wait3A_12 : memref<640x128xf32, #tpu.memory_space<vmem_shared>>)
      tpu.yield
    }) : () -> ()
    "tpu.region"() ({
      %run_scoped3A = tpu.sem_alloc : memref<!tpu.dma_semaphore, #tpu.memory_space<semaphore_mem>>
      tpu.enqueue_dma source(%arg2 : memref<10000xi32, #tpu.memory_space<hbm>>) target(%arg13 : memref<10000xi32, #tpu.memory_space<vmem>>) target_semaphore(%run_scoped3A : memref<!tpu.dma_semaphore, #tpu.memory_space<semaphore_mem>>)
      tpu.wait_dma2 semaphore(%run_scoped3A : memref<!tpu.dma_semaphore, #tpu.memory_space<semaphore_mem>>) src(%arg2 : memref<10000xi32, #tpu.memory_space<hbm>>) dst(%arg13 : memref<10000xi32, #tpu.memory_space<vmem>>)
      tpu.yield
    }) : () -> ()
    %barrier3A = arith.constant 0 : index
    tpu.barrier barrier_id(%barrier3A)
    %scan3A = arith.constant 0 : i32
    %scan3A_3 = arith.constant 0 : i32
    %scan3A_4 = arith.constant 125 : i32
    %scan3A_5 = arith.addi %scan3A_3, %scan3A_4 : i32
    %scan3A_6 = arith.constant 1 : i32
    scf.for %scan3A_9 = %scan3A_3 to %scan3A_5 step %scan3A_6  : i32 {
      %mul3A_10 = arith.constant 10000 : i32
      %mul3A_11 = arith.muli %add3A, %mul3A_10 : i32
      %mul3A_12 = arith.constant 80 : i32
      %mul3A_13 = arith.muli %scan3A_9, %mul3A_12 : i32
      %add3A_14 = arith.addi %mul3A_11, %mul3A_13 : i32
      %dma_start3A = tpu.memref_slice %arg4[%add3A_14] : memref<320000xi32, #tpu.memory_space<hbm>> -> memref<80xi32, #tpu.memory_space<hbm>>
      %dma_start3A_15 = tpu.memref_slice %arg4[%add3A_14] : memref<320000xi32, #tpu.memory_space<hbm>> -> memref<80xi32, #tpu.memory_space<hbm>>
      tpu.enqueue_dma source(%dma_start3A_15 : memref<80xi32, #tpu.memory_space<hbm>>) target(%arg10 : memref<80xi32, #tpu.memory_space<vmem>>) target_semaphore(%arg15 : memref<!tpu.dma_semaphore, #tpu.memory_space<semaphore_mem>>)
      "tpu.region"() ({
        %run_scoped3A = tpu.sem_alloc : memref<!tpu.dma_semaphore, #tpu.memory_space<semaphore_mem>>
        %dma_start3A_45 = tpu.memref_slice %arg3[%add3A_14] : memref<320000xi32, #tpu.memory_space<hbm>> -> memref<80xi32, #tpu.memory_space<hbm>>
        %dma_start3A_46 = tpu.memref_slice %arg3[%add3A_14] : memref<320000xi32, #tpu.memory_space<hbm>> -> memref<80xi32, #tpu.memory_space<hbm>>
        tpu.enqueue_dma source(%dma_start3A_46 : memref<80xi32, #tpu.memory_space<hbm>>) target(%arg9 : memref<80xi32, #tpu.memory_space<vmem>>) target_semaphore(%run_scoped3A : memref<!tpu.dma_semaphore, #tpu.memory_space<semaphore_mem>>)
        %dma_wait3A_47 = tpu.memref_slice %arg3[%add3A_14] : memref<320000xi32, #tpu.memory_space<hbm>> -> memref<80xi32, #tpu.memory_space<hbm>>
        %dma_wait3A_48 = tpu.memref_slice %arg3[%add3A_14] : memref<320000xi32, #tpu.memory_space<hbm>> -> memref<80xi32, #tpu.memory_space<hbm>>
        tpu.wait_dma2 semaphore(%run_scoped3A : memref<!tpu.dma_semaphore, #tpu.memory_space<semaphore_mem>>) src(%dma_wait3A_48 : memref<80xi32, #tpu.memory_space<hbm>>) dst(%arg9 : memref<80xi32, #tpu.memory_space<vmem>>)
        tpu.yield
      }) : () -> ()
      %get3A = arith.constant 0 : index
      %get3A_16 = tpu.vector_load %arg9[%get3A] {strides = array<i32>} : memref<80xi32, #tpu.memory_space<vmem>>, vector<16xi32>,
      %gather3A = tpu.vector_load_idx %arg13[%get3A_16] : memref<10000xi32, #tpu.memory_space<vmem>>[vector<16xi32>], vector<16xi32>,
      %swap3A = arith.constant 0 : index
      %swap3A_17 = tpu.vector_load %arg11[%swap3A] {strides = array<i32>} : memref<80xi32, #tpu.memory_space<vmem>>, vector<16xi32>,
      tpu.vector_store %arg11[%swap3A], %gather3A {strides = array<i32>} : memref<80xi32, #tpu.memory_space<vmem>>, vector<16xi32>,
      %get3A_18 = arith.constant 16 : index
      %get3A_19 = tpu.vector_load %arg9[%get3A_18] {strides = array<i32>} : memref<80xi32, #tpu.memory_space<vmem>>, vector<16xi32>,
      %gather3A_20 = tpu.vector_load_idx %arg13[%get3A_19] : memref<10000xi32, #tpu.memory_space<vmem>>[vector<16xi32>], vector<16xi32>,
      %swap3A_21 = arith.constant 16 : index
      %swap3A_22 = tpu.vector_load %arg11[%swap3A_21] {strides = array<i32>} : memref<80xi32, #tpu.memory_space<vmem>>, vector<16xi32>,
      tpu.vector_store %arg11[%swap3A_21], %gather3A_20 {strides = array<i32>} : memref<80xi32, #tpu.memory_space<vmem>>, vector<16xi32>,
      %get3A_23 = arith.constant 32 : index
      %get3A_24 = tpu.vector_load %arg9[%get3A_23] {strides = array<i32>} : memref<80xi32, #tpu.memory_space<vmem>>, vector<16xi32>,
      %gather3A_25 = tpu.vector_load_idx %arg13[%get3A_24] : memref<10000xi32, #tpu.memory_space<vmem>>[vector<16xi32>], vector<16xi32>,
      %swap3A_26 = arith.constant 32 : index
      %swap3A_27 = tpu.vector_load %arg11[%swap3A_26] {strides = array<i32>} : memref<80xi32, #tpu.memory_space<vmem>>, vector<16xi32>,
      tpu.vector_store %arg11[%swap3A_26], %gather3A_25 {strides = array<i32>} : memref<80xi32, #tpu.memory_space<vmem>>, vector<16xi32>,
      %get3A_28 = arith.constant 48 : index
      %get3A_29 = tpu.vector_load %arg9[%get3A_28] {strides = array<i32>} : memref<80xi32, #tpu.memory_space<vmem>>, vector<16xi32>,
      %gather3A_30 = tpu.vector_load_idx %arg13[%get3A_29] : memref<10000xi32, #tpu.memory_space<vmem>>[vector<16xi32>], vector<16xi32>,
      %swap3A_31 = arith.constant 48 : index
      %swap3A_32 = tpu.vector_load %arg11[%swap3A_31] {strides = array<i32>} : memref<80xi32, #tpu.memory_space<vmem>>, vector<16xi32>,
      tpu.vector_store %arg11[%swap3A_31], %gather3A_30 {strides = array<i32>} : memref<80xi32, #tpu.memory_space<vmem>>, vector<16xi32>,
      %get3A_33 = arith.constant 64 : index
      %get3A_34 = tpu.vector_load %arg9[%get3A_33] {strides = array<i32>} : memref<80xi32, #tpu.memory_space<vmem>>, vector<16xi32>,
      %gather3A_35 = tpu.vector_load_idx %arg13[%get3A_34] : memref<10000xi32, #tpu.memory_space<vmem>>[vector<16xi32>], vector<16xi32>,
      %swap3A_36 = arith.constant 64 : index
      %swap3A_37 = tpu.vector_load %arg11[%swap3A_36] {strides = array<i32>} : memref<80xi32, #tpu.memory_space<vmem>>, vector<16xi32>,
      tpu.vector_store %arg11[%swap3A_36], %gather3A_35 {strides = array<i32>} : memref<80xi32, #tpu.memory_space<vmem>>, vector<16xi32>,
      %dma_start3A_38 = arith.constant 0 : i32
      %dma_start3A_39 = arith.constant 0 : i32
      %dma_start3A_40 = tpu.memref_slice %arg5[%dma_start3A_38, %dma_start3A_39] : memref<10000x128xf32, #tpu.memory_space<hbm>> -> memref<10000x128xf32, #tpu.memory_space<hbm>>
      tpu.enqueue_indirect_dma source(%dma_start3A_40 : memref<10000x128xf32, #tpu.memory_space<hbm>>) target(%arg12 : memref<80x128xf32, #tpu.memory_space<vmem>>) offsets(%arg11 : memref<80xi32, #tpu.memory_space<vmem>>) semaphore(%arg14 : memref<!tpu.dma_semaphore, #tpu.memory_space<semaphore_mem>>)
      %dma_wait3A = arith.constant 0 : i32
      %dma_wait3A_41 = arith.constant 0 : i32
      %dma_wait3A_42 = tpu.memref_slice %arg5[%dma_wait3A, %dma_wait3A_41] : memref<10000x128xf32, #tpu.memory_space<hbm>> -> memref<10000x128xf32, #tpu.memory_space<hbm>>
      tpu.wait_indirect_dma semaphore(%arg14 : memref<!tpu.dma_semaphore, #tpu.memory_space<semaphore_mem>>) src(%dma_wait3A_42 : memref<10000x128xf32, #tpu.memory_space<hbm>>) dst(%arg12 : memref<80x128xf32, #tpu.memory_space<vmem>>)
      %dma_wait3A_43 = tpu.memref_slice %arg4[%add3A_14] : memref<320000xi32, #tpu.memory_space<hbm>> -> memref<80xi32, #tpu.memory_space<hbm>>
      %dma_wait3A_44 = tpu.memref_slice %arg4[%add3A_14] : memref<320000xi32, #tpu.memory_space<hbm>> -> memref<80xi32, #tpu.memory_space<hbm>>
      tpu.wait_dma2 semaphore(%arg15 : memref<!tpu.dma_semaphore, #tpu.memory_space<semaphore_mem>>) src(%dma_wait3A_44 : memref<80xi32, #tpu.memory_space<hbm>>) dst(%arg10 : memref<80xi32, #tpu.memory_space<vmem>>)
      "tpu.region"() ({
        %run_scoped3A = tpu.sem_alloc : memref<!tpu.dma_semaphore, #tpu.memory_space<semaphore_mem>>
        %dma_start3A_45 = arith.constant 0 : i32
        %dma_start3A_46 = arith.constant 0 : i32
        %dma_start3A_47 = tpu.memref_slice %arg8[%dma_start3A_45, %dma_start3A_46] : memref<10240x128xf32, #tpu.memory_space<vmem_shared>> -> memref<10240x128xf32, #tpu.memory_space<vmem_shared>>
        tpu.enqueue_indirect_dma source(%arg12 : memref<80x128xf32, #tpu.memory_space<vmem>>) target(%dma_start3A_47 : memref<10240x128xf32, #tpu.memory_space<vmem_shared>>) offsets(%arg10 : memref<80xi32, #tpu.memory_space<vmem>>) semaphore(%run_scoped3A : memref<!tpu.dma_semaphore, #tpu.memory_space<semaphore_mem>>) {add = true}
        %dma_wait3A_48 = arith.constant 0 : i32
        %dma_wait3A_49 = arith.constant 0 : i32
        %dma_wait3A_50 = tpu.memref_slice %arg8[%dma_wait3A_48, %dma_wait3A_49] : memref<10240x128xf32, #tpu.memory_space<vmem_shared>> -> memref<10240x128xf32, #tpu.memory_space<vmem_shared>>
        tpu.wait_indirect_dma semaphore(%run_scoped3A : memref<!tpu.dma_semaphore, #tpu.memory_space<semaphore_mem>>) src(%arg12 : memref<80x128xf32, #tpu.memory_space<vmem>>) dst(%dma_wait3A_50 : memref<10240x128xf32, #tpu.memory_space<vmem_shared>>)
        tpu.yield
      }) : () -> ()
    }
    %scan3A_7 = arith.constant 125 : i32
    %barrier3A_8 = arith.constant 0 : index
    tpu.barrier barrier_id(%barrier3A_8)
    "tpu.region"() ({
      %run_scoped3A = tpu.sem_alloc : memref<!tpu.dma_semaphore, #tpu.memory_space<semaphore_mem>>
      %dma_start3A = arith.constant 0 : i32
      %dma_start3A_9 = tpu.memref_slice %arg7[%arg0, %mul3A_2, %dma_start3A] : memref<2x10240x128xf32, #tpu.memory_space<hbm>> -> memref<1x640x128xf32, #tpu.memory_space<hbm>>
      %dma_start3A_10 = tpu.memref_squeeze %dma_start3A_9 : memref<1x640x128xf32, #tpu.memory_space<hbm>> -> memref<640x128xf32, #tpu.memory_space<hbm>>
      %dma_start3A_11 = arith.constant 0 : i32
      %dma_start3A_12 = tpu.memref_slice %arg8[%mul3A_2, %dma_start3A_11] : memref<10240x128xf32, #tpu.memory_space<vmem_shared>> -> memref<640x128xf32, #tpu.memory_space<vmem_shared>>
      tpu.enqueue_dma source(%dma_start3A_12 : memref<640x128xf32, #tpu.memory_space<vmem_shared>>) target(%dma_start3A_10 : memref<640x128xf32, #tpu.memory_space<hbm>>) target_semaphore(%run_scoped3A : memref<!tpu.dma_semaphore, #tpu.memory_space<semaphore_mem>>)
      %dma_wait3A = arith.constant 0 : i32
      %dma_wait3A_13 = tpu.memref_slice %arg7[%arg0, %mul3A_2, %dma_wait3A] : memref<2x10240x128xf32, #tpu.memory_space<hbm>> -> memref<1x640x128xf32, #tpu.memory_space<hbm>>
      %dma_wait3A_14 = tpu.memref_squeeze %dma_wait3A_13 : memref<1x640x128xf32, #tpu.memory_space<hbm>> -> memref<640x128xf32, #tpu.memory_space<hbm>>
      %dma_wait3A_15 = arith.constant 0 : i32
      %dma_wait3A_16 = tpu.memref_slice %arg8[%mul3A_2, %dma_wait3A_15] : memref<10240x128xf32, #tpu.memory_space<vmem_shared>> -> memref<640x128xf32, #tpu.memory_space<vmem_shared>>
      tpu.wait_dma2 semaphore(%run_scoped3A : memref<!tpu.dma_semaphore, #tpu.memory_space<semaphore_mem>>) src(%dma_wait3A_16 : memref<640x128xf32, #tpu.memory_space<vmem_shared>>) dst(%dma_wait3A_14 : memref<640x128xf32, #tpu.memory_space<hbm>>)
      tpu.yield
    }) : () -> ()
    return
  }
}

module attributes {stable_mosaic.version = 14 : i64} {
  func.func @_dense_relu_kernel(%arg0: i32, %arg1: memref<2x2048x128xf32, #tpu.memory_space<vmem>>, %arg2: memref<128x128xf32, #tpu.memory_space<vmem>>, %arg3: memref<1x128xf32, #tpu.memory_space<vmem>>, %arg4: memref<2048x128xf32, #tpu.memory_space<vmem>>) attributes {dimension_semantics = [#tpu.dimension_semantics<arbitrary>], iteration_bounds = array<i64: 5>, scalar_prefetch = 0 : i64, scratch_operands = 0 : i64, tpu.core_type = #tpu.core_type<tc>, window_params = [{transform_indices = @transform_0, window_bounds = array<i64: 2, 2048, 128>}, {pipeline_mode = #tpu.pipeline_mode<synchronous>, transform_indices = @transform_1, window_bounds = array<i64: 128, 128>}, {pipeline_mode = #tpu.pipeline_mode<synchronous>, transform_indices = @transform_2, window_bounds = array<i64: 1, 128>}, {transform_indices = @transform_3, window_bounds = array<i64: 2048, 128>}]} {
    %get3A = arith.constant 0 : index
    %get3A_0 = arith.constant 0 : index
    %get3A_1 = arith.constant 0 : index
    %get3A_2 = vector.load %arg1[%get3A, %get3A_0, %get3A_1] : memref<2x2048x128xf32, #tpu.memory_space<vmem>>, vector<1x2048x128xf32>
    %get3A_3 = vector.shape_cast %get3A_2 : vector<1x2048x128xf32> to vector<2048x128xf32>
    %get3A_4 = arith.constant 1 : index
    %get3A_5 = arith.constant 0 : index
    %get3A_6 = arith.constant 0 : index
    %get3A_7 = vector.load %arg1[%get3A_4, %get3A_5, %get3A_6] : memref<2x2048x128xf32, #tpu.memory_space<vmem>>, vector<1x2048x128xf32>
    %get3A_8 = vector.shape_cast %get3A_7 : vector<1x2048x128xf32> to vector<2048x128xf32>
    %add3A = arith.addf %get3A_3, %get3A_8 : vector<2048x128xf32>
    %get3A_9 = arith.constant 0 : index
    %get3A_10 = arith.constant 0 : index
    %get3A_11 = vector.load %arg2[%get3A_9, %get3A_10] : memref<128x128xf32, #tpu.memory_space<vmem>>, vector<128x128xf32>
    %dot_general3A = arith.constant dense<0.000000e+00> : vector<2048x128xf32>
    %dot_general3A_12 = tpu.matmul %add3A, %get3A_11, %dot_general3A {dimension_numbers = #tpu.dot_dimension_numbers<[1], [0], [0], [1], [0, 0, 1, 1], [], []>, transpose_lhs_hint = false} : vector<2048x128xf32>, vector<128x128xf32>, vector<2048x128xf32> -> vector<2048x128xf32>
    %get3A_13 = arith.constant 0 : index
    %get3A_14 = arith.constant 0 : index
    %get3A_15 = vector.load %arg3[%get3A_13, %get3A_14] : memref<1x128xf32, #tpu.memory_space<vmem>>, vector<1x128xf32>
    %add3A_16 = vector.broadcast %get3A_15 : vector<1x128xf32> to vector<2048x128xf32>
    %add3A_17 = arith.addf %dot_general3A_12, %add3A_16 : vector<2048x128xf32>
    %max3A = arith.constant 0.000000e+00 : f32
    %max3A_18 = vector.broadcast %max3A : f32 to vector<2048x128xf32>
    %max3A_19 = arith.maximumf %add3A_17, %max3A_18 : vector<2048x128xf32>
    %swap3A = arith.constant 0 : index
    %swap3A_20 = arith.constant 0 : index
    %swap3A_21 = vector.load %arg4[%swap3A, %swap3A_20] : memref<2048x128xf32, #tpu.memory_space<vmem>>, vector<2048x128xf32>
    tpu.vector_store %arg4[%swap3A, %swap3A_20], %max3A_19 {strides = array<i32>} : memref<2048x128xf32, #tpu.memory_space<vmem>>, vector<2048x128xf32>,
    return
  }
  func.func @transform_0(%arg0: i32) -> (i32, i32, i32) {
    %c0_i32 = arith.constant 0 : i32
    %c0_i32_0 = arith.constant 0 : i32
    %c0_i32_1 = arith.constant 0 : i32
    return %c0_i32, %arg0, %c0_i32_0 : i32, i32, i32
  }
  func.func @transform_1(%arg0: i32) -> (i32, i32) {
    %c0_i32 = arith.constant 0 : i32
    %c0_i32_0 = arith.constant 0 : i32
    %c0_i32_1 = arith.constant 0 : i32
    return %c0_i32, %c0_i32_0 : i32, i32
  }
  func.func @transform_2(%arg0: i32) -> (i32, i32) {
    %c0_i32 = arith.constant 0 : i32
    %c0_i32_0 = arith.constant 0 : i32
    %c0_i32_1 = arith.constant 0 : i32
    return %c0_i32, %c0_i32_0 : i32, i32
  }
  func.func @transform_3(%arg0: i32) -> (i32, i32) {
    %c0_i32 = arith.constant 0 : i32
    %c0_i32_0 = arith.constant 0 : i32
    return %arg0, %c0_i32 : i32, i32
  }
}

module attributes {stable_mosaic.version = 14 : i64} {
  func.func @_dense_head_kernel(%arg0: i32, %arg1: memref<2x2048x128xf32, #tpu.memory_space<vmem>>, %arg2: memref<128x128xf32, #tpu.memory_space<vmem>>, %arg3: memref<1x128xf32, #tpu.memory_space<vmem>>, %arg4: memref<128x1xf32, #tpu.memory_space<vmem>>, %arg5: memref<1x1xf32, #tpu.memory_space<vmem>>, %arg6: memref<2048x1xf32, #tpu.memory_space<vmem>>) attributes {dimension_semantics = [#tpu.dimension_semantics<arbitrary>], iteration_bounds = array<i64: 5>, scalar_prefetch = 0 : i64, scratch_operands = 0 : i64, tpu.core_type = #tpu.core_type<tc>, window_params = [{transform_indices = @transform_0, window_bounds = array<i64: 2, 2048, 128>}, {pipeline_mode = #tpu.pipeline_mode<synchronous>, transform_indices = @transform_1, window_bounds = array<i64: 128, 128>}, {pipeline_mode = #tpu.pipeline_mode<synchronous>, transform_indices = @transform_2, window_bounds = array<i64: 1, 128>}, {pipeline_mode = #tpu.pipeline_mode<synchronous>, transform_indices = @transform_3, window_bounds = array<i64: 128, 1>}, {pipeline_mode = #tpu.pipeline_mode<synchronous>, transform_indices = @transform_4, window_bounds = array<i64: 1, 1>}, {transform_indices = @transform_5, window_bounds = array<i64: 2048, 1>}]} {
    %get3A = arith.constant 0 : index
    %get3A_0 = arith.constant 0 : index
    %get3A_1 = arith.constant 0 : index
    %get3A_2 = vector.load %arg1[%get3A, %get3A_0, %get3A_1] : memref<2x2048x128xf32, #tpu.memory_space<vmem>>, vector<1x2048x128xf32>
    %get3A_3 = vector.shape_cast %get3A_2 : vector<1x2048x128xf32> to vector<2048x128xf32>
    %get3A_4 = arith.constant 1 : index
    %get3A_5 = arith.constant 0 : index
    %get3A_6 = arith.constant 0 : index
    %get3A_7 = vector.load %arg1[%get3A_4, %get3A_5, %get3A_6] : memref<2x2048x128xf32, #tpu.memory_space<vmem>>, vector<1x2048x128xf32>
    %get3A_8 = vector.shape_cast %get3A_7 : vector<1x2048x128xf32> to vector<2048x128xf32>
    %add3A = arith.addf %get3A_3, %get3A_8 : vector<2048x128xf32>
    %get3A_9 = arith.constant 0 : index
    %get3A_10 = arith.constant 0 : index
    %get3A_11 = vector.load %arg2[%get3A_9, %get3A_10] : memref<128x128xf32, #tpu.memory_space<vmem>>, vector<128x128xf32>
    %dot_general3A = arith.constant dense<0.000000e+00> : vector<2048x128xf32>
    %dot_general3A_12 = tpu.matmul %add3A, %get3A_11, %dot_general3A {dimension_numbers = #tpu.dot_dimension_numbers<[1], [0], [0], [1], [0, 0, 1, 1], [], []>, transpose_lhs_hint = false} : vector<2048x128xf32>, vector<128x128xf32>, vector<2048x128xf32> -> vector<2048x128xf32>
    %get3A_13 = arith.constant 0 : index
    %get3A_14 = arith.constant 0 : index
    %get3A_15 = vector.load %arg3[%get3A_13, %get3A_14] : memref<1x128xf32, #tpu.memory_space<vmem>>, vector<1x128xf32>
    %add3A_16 = vector.broadcast %get3A_15 : vector<1x128xf32> to vector<2048x128xf32>
    %add3A_17 = arith.addf %dot_general3A_12, %add3A_16 : vector<2048x128xf32>
    %max3A = arith.constant 0.000000e+00 : f32
    %max3A_18 = vector.broadcast %max3A : f32 to vector<2048x128xf32>
    %max3A_19 = arith.maximumf %add3A_17, %max3A_18 : vector<2048x128xf32>
    %get3A_20 = arith.constant 0 : index
    %get3A_21 = arith.constant 0 : index
    %get3A_22 = vector.load %arg4[%get3A_20, %get3A_21] : memref<128x1xf32, #tpu.memory_space<vmem>>, vector<128x1xf32>
    %dot_general3A_23 = arith.constant dense<0.000000e+00> : vector<2048x1xf32>
    %dot_general3A_24 = tpu.matmul %max3A_19, %get3A_22, %dot_general3A_23 {dimension_numbers = #tpu.dot_dimension_numbers<[1], [0], [0], [1], [0, 0, 1, 1], [], []>, transpose_lhs_hint = false} : vector<2048x128xf32>, vector<128x1xf32>, vector<2048x1xf32> -> vector<2048x1xf32>
    %get3A_25 = arith.constant 0 : index
    %get3A_26 = arith.constant 0 : index
    %get3A_27 = vector.load %arg5[%get3A_25, %get3A_26] : memref<1x1xf32, #tpu.memory_space<vmem>>, vector<1x1xf32>
    %add3A_28 = vector.broadcast %get3A_27 : vector<1x1xf32> to vector<2048x1xf32>
    %add3A_29 = arith.addf %dot_general3A_24, %add3A_28 : vector<2048x1xf32>
    %logistic3A = arith.negf %add3A_29 : vector<2048x1xf32>
    %logistic3A_30 = math.exp %logistic3A : vector<2048x1xf32>
    %logistic3A_31 = arith.constant 1.000000e+00 : f32
    %logistic3A_32 = vector.broadcast %logistic3A_31 : f32 to vector<2048x1xf32>
    %logistic3A_33 = arith.addf %logistic3A_32, %logistic3A_30 : vector<2048x1xf32>
    %logistic3A_34 = arith.divf %logistic3A_32, %logistic3A_33 : vector<2048x1xf32>
    %swap3A = arith.constant 0 : index
    %swap3A_35 = arith.constant 0 : index
    %swap3A_36 = vector.load %arg6[%swap3A, %swap3A_35] : memref<2048x1xf32, #tpu.memory_space<vmem>>, vector<2048x1xf32>
    tpu.vector_store %arg6[%swap3A, %swap3A_35], %logistic3A_34 {strides = array<i32>} : memref<2048x1xf32, #tpu.memory_space<vmem>>, vector<2048x1xf32>,
    return
  }
  func.func @transform_0(%arg0: i32) -> (i32, i32, i32) {
    %c0_i32 = arith.constant 0 : i32
    %c0_i32_0 = arith.constant 0 : i32
    %c0_i32_1 = arith.constant 0 : i32
    return %c0_i32, %arg0, %c0_i32_0 : i32, i32, i32
  }
  func.func @transform_1(%arg0: i32) -> (i32, i32) {
    %c0_i32 = arith.constant 0 : i32
    %c0_i32_0 = arith.constant 0 : i32
    %c0_i32_1 = arith.constant 0 : i32
    return %c0_i32, %c0_i32_0 : i32, i32
  }
  func.func @transform_2(%arg0: i32) -> (i32, i32) {
    %c0_i32 = arith.constant 0 : i32
    %c0_i32_0 = arith.constant 0 : i32
    %c0_i32_1 = arith.constant 0 : i32
    return %c0_i32, %c0_i32_0 : i32, i32
  }
  func.func @transform_3(%arg0: i32) -> (i32, i32) {
    %c0_i32 = arith.constant 0 : i32
    %c0_i32_0 = arith.constant 0 : i32
    %c0_i32_1 = arith.constant 0 : i32
    return %c0_i32, %c0_i32_0 : i32, i32
  }
  func.func @transform_4(%arg0: i32) -> (i32, i32) {
    %c0_i32 = arith.constant 0 : i32
    %c0_i32_0 = arith.constant 0 : i32
    %c0_i32_1 = arith.constant 0 : i32
    return %c0_i32, %c0_i32_0 : i32, i32
  }
  func.func @transform_5(%arg0: i32) -> (i32, i32) {
    %c0_i32 = arith.constant 0 : i32
    %c0_i32_0 = arith.constant 0 : i32
    return %arg0, %c0_i32 : i32, i32
  }
}

</mosaic_0001>

<sc_bundles>
// kernel: kernel.6.cloned.1.call-start
scs
__scs_entry_jumppad:
0x0: {  	(pc) =	sbr.rel $0x88, $3  }
0x1: {  	(tag) =	ssettag $0x0;
	lr =	simm.s32 $0x1  }
0x2: {  	[smem:$0x3F98] =	sst lr;
	_ =	strace $0xD0000000  }
0x3: {  	_ = 	snop  }
0x4: {  	_ = 	snop  }
0x5: {  	_ = 	snop  }
0x6: {  	_ = 	snop  }
0x7: {  	_ = 	snop  }
__scs_overlays_trampoline_lowered:
0x8: {  	[smem:$0x3FA7] =	sst s0  }
0x9: {  	[smem:$0x3FA8] =	sst s1  }
0xa: {  	[smem:$0x3FA9] =	sst s2  }
0xb: {  	[smem:$0x3FAA] =	sst s3  }
0xc: {  	[smem:$0x3FAB] =	sst s4  }
0xd: {  	[smem:$0x3FAC] =	sst s5  }
0xe: {  	[smem:$0x3FAD] =	sst s6  }
0xf: {  	[smem:$0x3FAE] =	sst s7  }
0x10: {  	[smem:$0x3FAF] =	sst s8  }
0x11: {  	[smem:$0x3FB0] =	sst s9;
	s0 =	simm.s32 @!p0 $0x0  }
0x12: {  	s1 =	sld [smem:$0x3F96];
	s0 =	simm.s32 @p0 $0x1  }
0x13: {  	[smem:$0x3FB1] =	sst s0;
	s0 =	simm.s32 @!p1 $0x0  }
0x14: {  	s2 =	sld [smem:$0x3F95];
	s0 =	simm.s32 @p1 $0x1  }
0x15: {  	[smem:$0x3FB2] =	sst s0;
	s0 =	simm.s32 @!p2 $0x0  }
0x16: {  	s3 =	sld [smem:$0x3FDB];
	s0 =	simm.s32 @p2 $0x1  }
0x17: {  	s4 =	simm.s32 $0x1BF5;
	[smem:$0x3FB4] =	sst s0  }
0x18: {  	s0 =	sld [smem:$0x3F97];
	_ =	swait.ge [sflag:s4], $0x0  }
0x19: {  	s7 =	sld [smem:$0x3F98]  }
0x1a: {  	s8 =	sadd.s32 $0xFFFFE003, lr  }
0x1b: {  	s9 =	sadd.s32 $0xFFFFFEF7, lr;
	s5 =	simm.s32 $0xFFFFFFFF;
	p2 =	slt.u32 s8, $0xFFFFF086  }
0x1c: {  	p1 =	slt.u32 s9, $0xF7A;
	s5 =	simm.s32 @!p2 $0x0  }
0x1d: {  	s5 =	simm.s32 @p1 $0x1;
	p0 =	seq.s32 s7, s2  }
0x1e: {  	s7 =	smul.u32 @!p0 $0xF7A, s2;
	p2 =	seq.s32 @!p0 s5, $0x0  }
0x1f: {  	s9 =	smul.u32 $0xF7A, s1;
	s8 =	simm.s32 @!p0 $0x1BF5;
	p2 =	por !p2, p0  }
0x20: {  	[sflag:s8] =	ssyncset.s32 @!p0 $0xFFFFF086;
	s6 =	sadd.s32 @!p0 s3, s7;
	s7 =	simm.s32 @!p0 $0x108  }
0x21: {  	s3 =	sadd.s32 s3, s9;
	s6 =	sadd.s32 @!p0 $0x88, s6;
	s7 =	simm.s32 @p2 $0x1082  }
0x22: {  	[simem:s7], [sflag:s8] =	dma.local @!p0 [hbm:s6], $0xF7A  }
0x23: {  	s9 =	sor.u32 $0xD0000000, s2;
	s6 =	simm.s32 $0x108;
	_ =	swait.ge @!p0 [sflag:s8], $0x0  }
0x24: {  	s3 =	sadd.s32 $0x88, s3;
	s6 =	simm.s32 @!p1 $0x1082;
	[sflag:s4] =	ssyncset.s32 $0xFFFFF086  }
0x25: {  	[simem:s6], [sflag:s4] =	dma.local [hbm:s3], $0xF7A  }
0x26: {  	[smem:$0x3F98] =	sst s1;
	(tag) =	ssettag s2;
	_ =	strace s9  }
0x27: {  	s1 =	sld [smem:$0x3FA8]  }
0x28: {  	s2 =	sld [smem:$0x3FA9]  }
0x29: {  	s4 =	sld [smem:$0x3FAB]  }
0x2a: {  	p0 =	seq.s32 s5, $0x0;
	s5 =	sld [smem:$0x3FAC]  }
0x2b: {  	s6 =	sld [smem:$0x3FAD]  }
0x2c: {  	s7 =	sld [smem:$0x3FAE]  }
0x2d: {  	s3 =	simm.s32 $0x108;
	s8 =	sld [smem:$0x3FAF]  }
0x2e: {  	s3 =	simm.s32 @!p0 $0x1082;
	s9 =	sld [smem:$0x3FB0]  }
0x2f: {  	lr =	sadd.s32 s0, s3;
	s0 =	sld [smem:$0x3FA7]  }
0x30: {  	s3 =	sld [smem:$0x3FAA]  }
0x31: {  	[smem:$0x3FB3] =	sst s10  }
0x32: {  	s10 =	sld [smem:$0x3FB1];
	_ =	sdelay $0x3  }
0x33: {  	p0 =	seq.s32 s10, $0x1;
	s10 =	sld [smem:$0x3FB3];
	_ =	sdelay $0x3  }
0x34: {  	[smem:$0x3FB3] =	sst s10  }
0x35: {  	s10 =	sld [smem:$0x3FB2];
	_ =	sdelay $0x3  }
0x36: {  	p1 =	seq.s32 s10, $0x1;
	s10 =	sld [smem:$0x3FB3];
	_ =	sdelay $0x3  }
0x37: {  	[smem:$0x3FB3] =	sst s10  }
0x38: {  	s10 =	sld [smem:$0x3FB4]  }
0x39: {  	_ = 	snop;
	(pc) =	sbr.ind lr, $3  }
0x3a: {  	_ = 	snop  }
0x3b: {  	_ = 	snop  }
0x3c: {  	p2 =	seq.s32 s10, $0x1;
	s10 =	sld [smem:$0x3FB3]  }
0x3d: {  	_ =	shalt  }
0x3e: {  	_ =	shalt  }
0x3f: {  	_ =	shalt  }
0x40: {  	_ =	shalt  }
0x41: {  	_ =	shalt  }
0x42: {  	_ =	shalt  }
0x43: {  	_ =	shalt  }
0x44: {  	_ =	shalt  }
0x45: {  	_ =	shalt  }
0x46: {  	_ =	shalt  }
0x47: {  	_ =	shalt  }
0x48: {  	_ =	shalt  }
0x49: {  	_ =	shalt  }
0x4a: {  	_ =	shalt  }
0x4b: {  	_ =	shalt  }
0x4c: {  	_ =	shalt  }
0x4d: {  	_ =	shalt  }
0x4e: {  	_ =	shalt  }
0x4f: {  	_ =	shalt  }
0x50: {  	_ =	shalt  }
0x51: {  	_ =	shalt  }
0x52: {  	_ =	shalt  }
0x53: {  	_ =	shalt  }
0x54: {  	_ =	shalt  }
0x55: {  	_ =	shalt  }
0x56: {  	_ =	shalt  }
0x57: {  	_ =	shalt  }
0x58: {  	_ =	shalt  }
0x59: {  	_ =	shalt  }
0x5a: {  	_ =	shalt  }
0x5b: {  	_ =	shalt  }
0x5c: {  	_ =	shalt  }
0x5d: {  	_ =	shalt  }
0x5e: {  	_ =	shalt  }
0x5f: {  	_ =	shalt  }
0x60: {  	_ =	shalt  }
0x61: {  	_ =	shalt  }
0x62: {  	_ =	shalt  }
0x63: {  	_ =	shalt  }
0x64: {  	_ =	shalt  }
0x65: {  	_ =	shalt  }
0x66: {  	_ =	shalt  }
0x67: {  	_ =	shalt  }
0x68: {  	_ =	shalt  }
0x69: {  	_ =	shalt  }
0x6a: {  	_ =	shalt  }
0x6b: {  	_ =	shalt  }
0x6c: {  	_ =	shalt  }
0x6d: {  	_ =	shalt  }
0x6e: {  	_ =	shalt  }
0x6f: {  	_ =	shalt  }
0x70: {  	_ =	shalt  }
0x71: {  	_ =	shalt  }
0x72: {  	_ =	shalt  }
0x73: {  	_ =	shalt  }
0x74: {  	_ =	shalt  }
0x75: {  	_ =	shalt  }
0x76: {  	_ =	shalt  }
0x77: {  	_ =	shalt  }
0x78: {  	_ =	shalt  }
0x79: {  	_ =	shalt  }
0x7a: {  	_ =	shalt  }
0x7b: {  	_ =	shalt  }
0x7c: {  	_ =	shalt  }
0x7d: {  	_ =	shalt  }
0x7e: {  	_ =	shalt  }
0x7f: {  	_ =	shalt  }
0x80: {  	_ =	shalt  }
0x81: {  	_ =	shalt  }
0x82: {  	_ =	shalt  }
0x83: {  	_ =	shalt  }
0x84: {  	_ =	shalt  }
0x85: {  	_ =	shalt  }
0x86: {  	_ =	shalt  }
0x87: {  	_ =	shalt  }
.Lfunc_end0:
.L_simem_size_0:
called_computation_lowered:
.L_overlay_start_0:
0x88: {  	s2 =	sld [smem:$0x3FD9]  }
0x89: {  	s3 =	sld [smem:$0x3FFE];
	_ =	sdelay $0x1  }
0x8a: {  	s1 =	srdreg.scid  }
0x8b: {  	s0 =	sand.u32 $0x1, s1  }
0x8c: {  	s17 =	sshll.u32 s0, $0xA;
	s2 =	sadd.s32 s3, s2  }
0x8d: {  	s2 =	sadd.s32 s2, s17  }
0x8e: {  	[smem:$0x3FBF] =	sst s2  }
0x8f: {  	_ = 	snop  }
0x90: {  	s2 =	sld [smem:$0x3FC9]  }
0x91: {  	s18 =	sld [smem:$0x3FC7];
	(tm) =	ssettm $0x1  }
0x92: {  	s4 =	sld [smem:$0x3FFB];
	_ =	sdelay $0x3  }
0x93: {  	_ =	strace s4  }
0x94: {  	s4 =	sld [smem:$0x3FFC];
	_ =	sdelay $0x3  }
0x95: {  	_ =	strace s4  }
0x96: {  	s4 =	sld [smem:$0x3FFD];
	_ =	sdelay $0x3  }
0x97: {  	_ =	strace s4  }
0x98: {  	_ =	strace $0x8FFFFFFF  }
0x99: {  	s19 =	sld [smem:$0x3FDB];
	_ =	sdelay $0x1  }
0x9a: {  	s5 =	simm.s32 $_scs_section_size  }
0x9b: {  	s6 =	simm.s32 $_size__tile_overlayer_lowered;
	s7 =	simm.s32 $_tile_overlayer_lowered  }
0x9c: {  	s22 =	simm.s32 $0x1BFF;
	s21 =	sshll.u32 s7, $0x1;
	s4 =	sadd.s32 s5, s19  }
0x9d: {  	s8 =	simm.s32 $0x0;
	s20 =	sshll.u32 s6, $0x1;
	s6 =	sadd.s32 s21, s4  }
0x9e: {  	[timem:s8], [sflag:s22] =	dma.local [hbm:s6], s20  }
0x9f: {  	_ =	swait.ge [sflag:s22], s20  }
0xa0: {  	s5 =	ssub.s32 $0x0, s20;
	[sflag:s22] =	ssyncset.done $0x0  }
0xa1: {  	[sflag:s22] =	ssyncadd.s32 s5;
	_ =	sdelay $0x1  }
0xa2: {  	s23 =	simm.s32 $0x1B8B  }
0xa3: {  	_ =	swait.ge [sflag:s23], $0x1  }
0xa4: {  	[sflag:s23] =	ssyncset.done $0x0  }
0xa5: {  	s25 =	simm.s32 $0x1B8E;
	s24 =	sld [smem:$0x3FFE];
	[sflag:s23] =	ssyncadd.s32 $0xFFFFFFFF  }
0xa6: {  	s26 =	simm.s32 $execute0_lowered;
	[smem:$0x3FD2] =	sst s25  }
0xa7: {  	s6 =	sshll.u32 s26, $0x1;
	_ =	strace $0x80000046;
	[dreg:$0x1] =	wrdreg $0xFFFFFFFF  }
0xa8: {  	s28 =	simm.s32 $_size_execute0_lowered;
	s4 =	sadd.s32 s4, s6;
	[dreg:$0x0] =	wrdreg $0x0  }
0xa9: {  	s6 =	sshll.u32 s28, $0x1;
	[dreg:$0x2] =	wrdreg s4  }
0xaa: {  	[dreg:$0x3] =	wrdreg s6  }
0xab: {  	[dreg:$0x4] =	wrdreg $0xC0  }
0xac: {  	_ =	task [dreg:s8], $0x5FFFF  }
0xad: {  	[dreg:$0x1] =	wrdreg $0xFFFFFFFF  }
0xae: {  	[dreg:$0x0] =	wrdreg $0x60  }
0xaf: {  	[dreg:$0x2] =	wrdreg s2  }
0xb0: {  	[dreg:$0x3] =	wrdreg s24  }
0xb1: {  	[dreg:$0x4] =	wrdreg s18  }
0xb2: {  	[dreg:$0x5] =	wrdreg $0x0  }
0xb3: {  	[dreg:$0x6] =	wrdreg $0x9  }
0xb4: {  	_ =	task.clear_ibuf [dreg:s8], $0x7FFFF;
	_ =	strace $0x90000046  }
0xb5: {  	s29 =	simm.s32 $0x9;
	_ =	strace $0x80000048  }
0xb6: {  	_ =	swait.ge [sflag:s29], $0x1  }
0xb7: {  	[sflag:s29] =	ssyncadd.s32 $0xFFFFFFFF  }
0xb8: {  	_ =	strace $0x90000048  }
0xb9: {  	_ =	sfence  }
0xba: {  	s30 =	sld [smem:$0x0];
	_ =	sdelay $0x2  }
0xbb: {  	s31 =	sshll.u32 s1, $0xD;
	s1 =	sshrl.u32 s1, $0x2  }
0xbc: {  	s3 =	sand.u32 $0x4000, s31;
	s1 =	sadd.s32 s1, s30  }
0xbd: {  	s0 =	sor.u32 s3, s0;
	s1 =	sshll.u32 s1, $0x11  }
0xbe: {  	s0 =	sor.u32 s1, s0  }
0xbf: {  	s0 =	sadd.s32 $0x8F2B, s0  }
0xc0: {  	[sflag:s0] =	ssyncadd.remote.s32 $0x1  }
0xc1: {  	_ =	sfence.sel $0xFFFF  }
0xc2: {  	[dreg:$0x0] =	wrdreg $0xFFFFFFFF;
	(pc) =	sbr.abs _section_cstart, $3  }
0xc3: {  	[dreg:$0x1] =	wrdreg $0xFFFFFFFF  }
0xc4: {  	_ =	task.clear_ibuf [dreg:s8], $0x2FFFF;
	_ =	strace $0x9FFFFFFF  }
0xc5: {  	(tm) =	ssettm $0x7FFFFFFF  }
tec
execute0_lowered:
.L_overlay_start_1:
0x0: {  	(tag) =	ssettag $0x1  }
0x1: {  	s0 =	rddreg [dreg:$0x0]  }
0x2: {  	s6 =	rddreg [dreg:$0x1]  }
0x3: {  	s3 =	rddreg [dreg:$0x2]  }
0x4: {  	s1 =	srdreg.scid;
	s4 =	rddreg [dreg:$0x3]  }
0x5: {  	s2 =	rddreg [dreg:$0x4];
	s5 =	simm.s32 $0x0;
	s14 =	simm.s32 $0x16980  }
0x6: {  	s15 =	simm.s32 $0x14080;
	s16 =	simm.s32 $0x14000;
	s7 =	sand.u32 $0x1, s1  }
0x7: {  	s17 =	simm.s32 $0x50;
	s1 =	stileid.u32;
	s8 =	smul.u32 $0x27100, s7  }
0x8: {  	s18 =	simm.s32 $0x14100;
	s19 =	simm.s32 $0x14180;
	s9 =	smul.u32 $0x2710, s1  }
0x9: {  	s20 =	simm.s32 $0x1;
	s21 =	simm.s32 $0x2;
	s10 =	smul.u32 $0x14000, s1  }
0xa: {  	s22 =	simm.s32 $0x0;
	[smem:$0x7FF] =	sst s5;
	s25 =	smul.u32 $0x140000, s7  }
0xb: {  	_ =	strace $0x80000047;
	s7 =	ssub.s32 $0x2, s7;
	s28 =	smul.u32 $0x50000, s1  }
0xc: {  	s31 =	sshll.u32 s1, $0x6;
	s29 =	sshrl.u32 s7, $0x1;
	s8 =	sadd.s32 s9, s8  }
0xd: {  	s26 =	sshrl.u32 s10, $0x3;
	s9 =	sadd.s32 s10, s25;
	s12 =	ssub.s32 s7, s29  }
0xe: {  	s30 =	sshrl.u32 s28, $0x2;
	s7 =	sor.u32 $0x1C03, s31;
	s8 =	sshrl.u32 s8, $0x3  }
0xf: {  	s9 =	sshrl.u32 s9, $0x3;
	s11 =	sadd.s32 s8, s6;
	s8 =	sadd.s32 s26, s6  }
0x10: {  	s13 =	sadd.s32 s30, s4;
	s9 =	sadd.s32 s9, s6;
	s6 =	sadd.s32 $0x14600, s8  }
0x11: {  	s8 =	sadd.s32 $0x3C600, s9;
	s9 =	smax.u32 s12, $0x1;
	s10 =	sadd.s32 $0xA800, s11  }
0x12: {  	s11 =	sadd.s32 $0xA00, s11;
	s12 =	sshrl.u32 s13, $0x3;
	s13 =	simm.s32 $0x3  }
.LBB2_1:
0x13: {  	[spmem:s12], [sflag:s7] =	dma.local [hbm:s6], $0x2800  }
0x14: {  	_ =	swait.ge [sflag:s13], $0x2800  }
0x15: {  	[sflag:s13] =	ssyncset.done $0x0  }
0x16: {  	[sflag:s13] =	ssyncadd.s32 $0xFFFFD800  }
0x17: {  	[tilespmem:s14], [sflag:$0x3] =	stream.linear.gather [hbm4b:s0+s5], $0x2780, $0x38;
	[tilespmem:$0x19100] =	vst v63  }
0x18: {  	_ =	swait.ge [sflag:s13], $0x2780  }
0x19: {  	[sflag:s13] =	ssyncset.done $0x0  }
0x1a: {  	[sflag:s13] =	ssyncadd.s32 $0xFFFFD880  }
0x1b: {  	s23 =	sadd.s32 $0x0, s11;
	[bflag:$0x0] =	sbarrier.arrive $0xFFFF  }
0x1c: {  	[tilespmem:s15], [sflag:$0x2] =	stream.linear.gather [hbm4b:s23+s5], $0x50, $0x38;
	[tilespmem:$0x19100] =	vst v63  }
0x1d: {  	s31 =	sadd.s32 $0x0, s10  }
0x1e: {  	[tilespmem:s16], [sflag:$0x3] =	stream.linear.gather [hbm4b:s31+s5], $0x50, $0x38;
	[tilespmem:$0x19100] =	vst v63  }
0x1f: {  	_ =	swait.ge [sflag:s13], $0x50  }
0x20: {  	[sflag:s13] =	ssyncset.done $0x0  }
0x21: {  	[sflag:s13] =	ssyncadd.s32 $0xFFFFFFB0  }
0x22: {  	v0 =	vld [tilespmem:$0x14000];
	_ =	sdelay $0x5  }
0x23: {  	v1 =	vld [tilespmem:$0x14010];
	_ =	sdelay $0x1  }
0x24: {  	v0 =	vld.idx.msk [tilespmem:v0+s14+$0x0], $0xffff;
	_ =	sdelay $0x3  }
0x25: {  	v2 =	vld [tilespmem:$0x14020]  }
0x26: {  	[tilespmem:$0x14100] =	vst v0  }
0x27: {  	v0 =	vld.idx.msk [tilespmem:v1+s14+$0x0], $0xffff;
	_ =	sdelay $0x3  }
0x28: {  	v62 =	vld [tilespmem:$0x14030]  }
0x29: {  	[tilespmem:$0x14110] =	vst v0  }
0x2a: {  	v0 =	vld.idx.msk [tilespmem:v2+s14+$0x0], $0xffff;
	_ =	sdelay $0x3  }
0x2b: {  	v63 =	vld [tilespmem:$0x14040]  }
0x2c: {  	[tilespmem:$0x14120] =	vst v0  }
0x2d: {  	v0 =	vld.idx.msk [tilespmem:v62+s14+$0x0], $0xffff;
	_ =	sdelay $0x4  }
0x2e: {  	[tilespmem:$0x14130] =	vst v0  }
0x2f: {  	v0 =	vld.idx.msk [tilespmem:v63+s14+$0x0], $0xffff;
	_ =	sdelay $0x4  }
0x30: {  	[tilespmem:$0x14140] =	vst v0  }
0x31: {  	[tilespmem:s19], [sflag:$0x1] =	stream.indirect.gather [hbm4b:s3+s17], $0x80, s18, s17, $0xb8;
	[tilespmem:$0x19100] =	vst v63  }
0x32: {  	_ =	swait.ge [sflag:s20], $0x2800  }
0x33: {  	[sflag:s20] =	ssyncset.done $0x0  }
0x34: {  	[sflag:s20] =	ssyncadd.s32 $0xFFFFD800  }
0x35: {  	_ =	swait.ge [sflag:s21], $0x50  }
0x36: {  	[sflag:s21] =	ssyncset.done $0x0  }
0x37: {  	[sflag:s21] =	ssyncadd.s32 $0xFFFFFFB0  }
0x38: {  	[spmem:s4] =	stream.indirect.scatter.add.f32 [tilespmem:s19], [sflag:$0x3], $0x80, s15, s17, $0xb8;
	[tilespmem:$0x19100] =	vst v63  }
0x39: {  	_ =	swait.ge [sflag:s13], $0x2800  }
0x3a: {  	s25 =	simm.s32 $0x14;
	s23 =	simm.s32 $0xA;
	[sflag:s13] =	ssyncset.done $0x0  }
.LBB2_2:
0x3b: {  	s26 =	sadd.s32 s23, s11  }
0x3c: {  	[sflag:s13] =	ssyncadd.s32 $0xFFFFD800;
	s28 =	smov.u32 s25;
	s24 =	sadd.s32 $0xA, s25  }
0x3d: {  	[tilespmem:s15], [sflag:$0x2] =	stream.linear.gather [hbm4b:s26+s5], $0x50, $0x38;
	[tilespmem:$0x19100] =	vst v63  }
0x3e: {  	p0 =	sne.s32 s25, $0x4D8;
	s25 =	sadd.s32 s23, s10;
	s23 =	smov.u32 s28  }
0x3f: {  	[tilespmem:s16], [sflag:$0x3] =	stream.linear.gather [hbm4b:s25+s5], $0x50, $0x38;
	[tilespmem:$0x19100] =	vst v63  }
0x40: {  	_ =	swait.ge [sflag:s13], $0x50  }
0x41: {  	[sflag:s13] =	ssyncset.done $0x0  }
0x42: {  	[sflag:s13] =	ssyncadd.s32 $0xFFFFFFB0  }
0x43: {  	v0 =	vld [tilespmem:$0x14000];
	_ =	sdelay $0x6  }
0x44: {  	v1 =	vld [tilespmem:$0x14010]  }
0x45: {  	v0 =	vld.idx.msk [tilespmem:v0+s14+$0x0], $0xffff;
	_ =	sdelay $0x5  }
0x46: {  	[tilespmem:$0x14100] =	vst v0;
	v0 =	vld [tilespmem:$0x14020]  }
0x47: {  	v1 =	vld.idx.msk [tilespmem:v1+s14+$0x0], $0xffff;
	_ =	sdelay $0x5  }
0x48: {  	[tilespmem:$0x14110] =	vst v1;
	v1 =	vld [tilespmem:$0x14030]  }
0x49: {  	v0 =	vld.idx.msk [tilespmem:v0+s14+$0x0], $0xffff;
	_ =	sdelay $0x5  }
0x4a: {  	[tilespmem:$0x14120] =	vst v0;
	v0 =	vld [tilespmem:$0x14040]  }
0x4b: {  	v1 =	vld.idx.msk [tilespmem:v1+s14+$0x0], $0xffff;
	_ =	sdelay $0x5  }
0x4c: {  	[tilespmem:$0x14130] =	vst v1  }
0x4d: {  	v0 =	vld.idx.msk [tilespmem:v0+s14+$0x0], $0xffff;
	_ =	sdelay $0x5  }
0x4e: {  	[tilespmem:$0x14140] =	vst v0  }
0x4f: {  	[tilespmem:s19], [sflag:$0x1] =	stream.indirect.gather [hbm4b:s3+s17], $0x80, s18, s17, $0xb8;
	[tilespmem:$0x19100] =	vst v63  }
0x50: {  	_ =	swait.ge [sflag:s20], $0x2800  }
0x51: {  	[sflag:s20] =	ssyncset.done $0x0  }
0x52: {  	[sflag:s20] =	ssyncadd.s32 $0xFFFFD800  }
0x53: {  	_ =	swait.ge [sflag:s21], $0x50  }
.Ltmp0:
0x54: {  	[sflag:s21] =	ssyncset.done $0x0;
	(pc) =	sbr.rel @p0 .LBB2_2-.Ltmp0, $4  }
0x55: {  	[sflag:s21] =	ssyncadd.s32 $0xFFFFFFB0  }
0x56: {  	[spmem:s4] =	stream.indirect.scatter.add.f32 [tilespmem:s19], [sflag:$0x3], $0x80, s15, s17, $0xb8;
	[tilespmem:$0x19100] =	vst v63  }
0x57: {  	_ =	swait.ge [sflag:s13], $0x2800  }
0x58: {  	s25 =	smov.u32 s24;
	[sflag:s13] =	ssyncset.done $0x0  }
0x59: {  	s24 =	sadd.s32 s23, s11;
	[sflag:s13] =	ssyncadd.s32 $0xFFFFD800  }
0x5a: {  	[tilespmem:s15], [sflag:$0x2] =	stream.linear.gather [hbm4b:s24+s5], $0x50, $0x38;
	[tilespmem:$0x19100] =	vst v63  }
0x5b: {  	s31 =	sadd.s32 s23, s10  }
0x5c: {  	[tilespmem:s16], [sflag:$0x3] =	stream.linear.gather [hbm4b:s31+s5], $0x50, $0x38;
	[tilespmem:$0x19100] =	vst v63  }
0x5d: {  	_ =	swait.ge [sflag:s13], $0x50  }
0x5e: {  	[sflag:s13] =	ssyncset.done $0x0  }
0x5f: {  	[sflag:s13] =	ssyncadd.s32 $0xFFFFFFB0  }
0x60: {  	v0 =	vld [tilespmem:$0x14000];
	_ =	sdelay $0x5  }
0x61: {  	v1 =	vld [tilespmem:$0x14010];
	_ =	sdelay $0x1  }
0x62: {  	v0 =	vld.idx.msk [tilespmem:v0+s14+$0x0], $0xffff;
	_ =	sdelay $0x3  }
0x63: {  	v2 =	vld [tilespmem:$0x14020]  }
0x64: {  	[tilespmem:$0x14100] =	vst v0  }
0x65: {  	v0 =	vld.idx.msk [tilespmem:v1+s14+$0x0], $0xffff;
	_ =	sdelay $0x3  }
0x66: {  	v62 =	vld [tilespmem:$0x14030]  }
0x67: {  	[tilespmem:$0x14110] =	vst v0  }
0x68: {  	v0 =	vld.idx.msk [tilespmem:v2+s14+$0x0], $0xffff;
	_ =	sdelay $0x3  }
0x69: {  	v63 =	vld [tilespmem:$0x14040]  }
0x6a: {  	[tilespmem:$0x14120] =	vst v0  }
0x6b: {  	v0 =	vld.idx.msk [tilespmem:v62+s14+$0x0], $0xffff;
	_ =	sdelay $0x4  }
0x6c: {  	[tilespmem:$0x14130] =	vst v0  }
0x6d: {  	v0 =	vld.idx.msk [tilespmem:v63+s14+$0x0], $0xffff;
	_ =	sdelay $0x4  }
0x6e: {  	[tilespmem:$0x14140] =	vst v0  }
0x6f: {  	[tilespmem:s19], [sflag:$0x1] =	stream.indirect.gather [hbm4b:s3+s17], $0x80, s18, s17, $0xb8;
	[tilespmem:$0x19100] =	vst v63  }
0x70: {  	_ =	swait.ge [sflag:s20], $0x2800  }
0x71: {  	[sflag:s20] =	ssyncset.done $0x0  }
0x72: {  	[sflag:s20] =	ssyncadd.s32 $0xFFFFD800  }
0x73: {  	_ =	swait.ge [sflag:s21], $0x50  }
0x74: {  	[sflag:s21] =	ssyncset.done $0x0  }
0x75: {  	[sflag:s21] =	ssyncadd.s32 $0xFFFFFFB0  }
0x76: {  	[spmem:s4] =	stream.indirect.scatter.add.f32 [tilespmem:s19], [sflag:$0x3], $0x80, s15, s17, $0xb8;
	[tilespmem:$0x19100] =	vst v63  }
0x77: {  	_ =	swait.ge [sflag:s13], $0x2800  }
0x78: {  	s22 =	sadd.s32 $0x1, s22;
	[sflag:s13] =	ssyncset.done $0x0  }
0x79: {  	p0 =	sne.s32 s22, s9;
	[sflag:s13] =	ssyncadd.s32 $0xFFFFD800  }
.Ltmp1:
0x7a: {  	[bflag:$0x0] =	sbarrier.arrive $0xFFFF;
	(pc) =	sbr.rel @p0 .LBB2_1-.Ltmp1, $4  }
0x7b: {  	[hbm:s8], [sflag:s7] =	dma.local [spmem:s12], $0x2800  }
0x7c: {  	_ =	swait.ge [sflag:s13], $0x2800  }
0x7d: {  	[sflag:s13] =	ssyncset.done $0x0  }
0x7e: {  	[sflag:s13] =	ssyncadd.s32 $0xFFFFD800  }
0x7f: {  	_ =	sfence.sel $0x180000  }
0x80: {  	[bflag:$0x0] =	sbarrier.arrive $0xFFFF  }
0x81: {  	p0 =	sne.s32 s1, $0x0;
	_ =	strace $0x90000047  }
0x82: {  	s0 =	sadd.s32 @!p0 $0x100000, s2;
	[bflag:$0x2] =	sbarrier.arrive $0xFFFF  }
0x83: {  	[sflag:s0] =	ssyncadd.tile.s32 @!p0 $0x1;
	_ =	shalt  }
.Lfunc_end2:
_tile_overlayer_lowered:
.L_overlay_start_2:
0x84: {  	(tag) =	ssettag $0x2  }
0x85: {  	s0 =	rddreg [dreg:$0x0];
	s2 =	stileid.u32  }
0x86: {  	s1 =	rddreg [dreg:$0x1];
	p0 =	sne.s32 s2, $0x0  }
0x87: {  	s3 =	rddreg [dreg:$0x2];
	[bflag:$0x3] =	sbarrier.arrive $0xFFFF;
	s2 =	simm.s32 @!p0 $0x1C03  }
0x88: {  	[timem:s3], [sflag:s2] =	dma.local @!p0 [hbm:s0], s1  }
0x89: {  	s0 =	simm.s32 @!p0 $0x3  }
0x8a: {  	_ =	swait.ge @!p0 [sflag:s0], s1  }
0x8b: {  	s1 =	ssub.s32 @!p0 $0x0, s1;
	[sflag:s0] =	ssyncset.done @!p0 $0x0  }
0x8c: {  	[sflag:s0] =	ssyncadd.s32 @!p0 s1  }
0x8d: {  	[bflag:$0x3] =	sbarrier.arrive $0xFFFF  }
0x8e: {  	_ =	shalt  }

// kernel: kernel.9.cloned.1.call-start
scs
__scs_entry_jumppad:
0x0: {  	(pc) =	sbr.rel $0x88, $3  }
0x1: {  	(tag) =	ssettag $0x0;
	lr =	simm.s32 $0x1  }
0x2: {  	[smem:$0x3F98] =	sst lr;
	_ =	strace $0xD0000000  }
0x3: {  	_ = 	snop  }
0x4: {  	_ = 	snop  }
0x5: {  	_ = 	snop  }
0x6: {  	_ = 	snop  }
0x7: {  	_ = 	snop  }
__scs_overlays_trampoline_lowered:
0x8: {  	[smem:$0x3FA7] =	sst s0  }
0x9: {  	[smem:$0x3FA8] =	sst s1  }
0xa: {  	[smem:$0x3FA9] =	sst s2  }
0xb: {  	[smem:$0x3FAA] =	sst s3  }
0xc: {  	[smem:$0x3FAB] =	sst s4  }
0xd: {  	[smem:$0x3FAC] =	sst s5  }
0xe: {  	[smem:$0x3FAD] =	sst s6  }
0xf: {  	[smem:$0x3FAE] =	sst s7  }
0x10: {  	[smem:$0x3FAF] =	sst s8  }
0x11: {  	[smem:$0x3FB0] =	sst s9;
	s0 =	simm.s32 @!p0 $0x0  }
0x12: {  	s1 =	sld [smem:$0x3F96];
	s0 =	simm.s32 @p0 $0x1  }
0x13: {  	[smem:$0x3FB1] =	sst s0;
	s0 =	simm.s32 @!p1 $0x0  }
0x14: {  	s2 =	sld [smem:$0x3F95];
	s0 =	simm.s32 @p1 $0x1  }
0x15: {  	[smem:$0x3FB2] =	sst s0;
	s0 =	simm.s32 @!p2 $0x0  }
0x16: {  	s3 =	sld [smem:$0x3FDB];
	s0 =	simm.s32 @p2 $0x1  }
0x17: {  	s4 =	simm.s32 $0x1BF5;
	[smem:$0x3FB4] =	sst s0  }
0x18: {  	s0 =	sld [smem:$0x3F97];
	_ =	swait.ge [sflag:s4], $0x0  }
0x19: {  	s7 =	sld [smem:$0x3F98]  }
0x1a: {  	s8 =	sadd.s32 $0xFFFFE003, lr  }
0x1b: {  	s9 =	sadd.s32 $0xFFFFFEF7, lr;
	s5 =	simm.s32 $0xFFFFFFFF;
	p2 =	slt.u32 s8, $0xFFFFF086  }
0x1c: {  	p1 =	slt.u32 s9, $0xF7A;
	s5 =	simm.s32 @!p2 $0x0  }
0x1d: {  	s5 =	simm.s32 @p1 $0x1;
	p0 =	seq.s32 s7, s2  }
0x1e: {  	s7 =	smul.u32 @!p0 $0xF7A, s2;
	p2 =	seq.s32 @!p0 s5, $0x0  }
0x1f: {  	s9 =	smul.u32 $0xF7A, s1;
	s8 =	simm.s32 @!p0 $0x1BF5;
	p2 =	por !p2, p0  }
0x20: {  	[sflag:s8] =	ssyncset.s32 @!p0 $0xFFFFF086;
	s6 =	sadd.s32 @!p0 s3, s7;
	s7 =	simm.s32 @!p0 $0x108  }
0x21: {  	s3 =	sadd.s32 s3, s9;
	s6 =	sadd.s32 @!p0 $0x88, s6;
	s7 =	simm.s32 @p2 $0x1082  }
0x22: {  	[simem:s7], [sflag:s8] =	dma.local @!p0 [hbm:s6], $0xF7A  }
0x23: {  	s9 =	sor.u32 $0xD0000000, s2;
	s6 =	simm.s32 $0x108;
	_ =	swait.ge @!p0 [sflag:s8], $0x0  }
0x24: {  	s3 =	sadd.s32 $0x88, s3;
	s6 =	simm.s32 @!p1 $0x1082;
	[sflag:s4] =	ssyncset.s32 $0xFFFFF086  }
0x25: {  	[simem:s6], [sflag:s4] =	dma.local [hbm:s3], $0xF7A  }
0x26: {  	[smem:$0x3F98] =	sst s1;
	(tag) =	ssettag s2;
	_ =	strace s9  }
0x27: {  	s1 =	sld [smem:$0x3FA8]  }
0x28: {  	s2 =	sld [smem:$0x3FA9]  }
0x29: {  	s4 =	sld [smem:$0x3FAB]  }
0x2a: {  	p0 =	seq.s32 s5, $0x0;
	s5 =	sld [smem:$0x3FAC]  }
0x2b: {  	s6 =	sld [smem:$0x3FAD]  }
0x2c: {  	s7 =	sld [smem:$0x3FAE]  }
0x2d: {  	s3 =	simm.s32 $0x108;
	s8 =	sld [smem:$0x3FAF]  }
0x2e: {  	s3 =	simm.s32 @!p0 $0x1082;
	s9 =	sld [smem:$0x3FB0]  }
0x2f: {  	lr =	sadd.s32 s0, s3;
	s0 =	sld [smem:$0x3FA7]  }
0x30: {  	s3 =	sld [smem:$0x3FAA]  }
0x31: {  	[smem:$0x3FB3] =	sst s10  }
0x32: {  	s10 =	sld [smem:$0x3FB1];
	_ =	sdelay $0x3  }
0x33: {  	p0 =	seq.s32 s10, $0x1;
	s10 =	sld [smem:$0x3FB3];
	_ =	sdelay $0x3  }
0x34: {  	[smem:$0x3FB3] =	sst s10  }
0x35: {  	s10 =	sld [smem:$0x3FB2];
	_ =	sdelay $0x3  }
0x36: {  	p1 =	seq.s32 s10, $0x1;
	s10 =	sld [smem:$0x3FB3];
	_ =	sdelay $0x3  }
0x37: {  	[smem:$0x3FB3] =	sst s10  }
0x38: {  	s10 =	sld [smem:$0x3FB4]  }
0x39: {  	_ = 	snop;
	(pc) =	sbr.ind lr, $3  }
0x3a: {  	_ = 	snop  }
0x3b: {  	_ = 	snop  }
0x3c: {  	p2 =	seq.s32 s10, $0x1;
	s10 =	sld [smem:$0x3FB3]  }
0x3d: {  	_ =	shalt  }
0x3e: {  	_ =	shalt  }
0x3f: {  	_ =	shalt  }
0x40: {  	_ =	shalt  }
0x41: {  	_ =	shalt  }
0x42: {  	_ =	shalt  }
0x43: {  	_ =	shalt  }
0x44: {  	_ =	shalt  }
0x45: {  	_ =	shalt  }
0x46: {  	_ =	shalt  }
0x47: {  	_ =	shalt  }
0x48: {  	_ =	shalt  }
0x49: {  	_ =	shalt  }
0x4a: {  	_ =	shalt  }
0x4b: {  	_ =	shalt  }
0x4c: {  	_ =	shalt  }
0x4d: {  	_ =	shalt  }
0x4e: {  	_ =	shalt  }
0x4f: {  	_ =	shalt  }
0x50: {  	_ =	shalt  }
0x51: {  	_ =	shalt  }
0x52: {  	_ =	shalt  }
0x53: {  	_ =	shalt  }
0x54: {  	_ =	shalt  }
0x55: {  	_ =	shalt  }
0x56: {  	_ =	shalt  }
0x57: {  	_ =	shalt  }
0x58: {  	_ =	shalt  }
0x59: {  	_ =	shalt  }
0x5a: {  	_ =	shalt  }
0x5b: {  	_ =	shalt  }
0x5c: {  	_ =	shalt  }
0x5d: {  	_ =	shalt  }
0x5e: {  	_ =	shalt  }
0x5f: {  	_ =	shalt  }
0x60: {  	_ =	shalt  }
0x61: {  	_ =	shalt  }
0x62: {  	_ =	shalt  }
0x63: {  	_ =	shalt  }
0x64: {  	_ =	shalt  }
0x65: {  	_ =	shalt  }
0x66: {  	_ =	shalt  }
0x67: {  	_ =	shalt  }
0x68: {  	_ =	shalt  }
0x69: {  	_ =	shalt  }
0x6a: {  	_ =	shalt  }
0x6b: {  	_ =	shalt  }
0x6c: {  	_ =	shalt  }
0x6d: {  	_ =	shalt  }
0x6e: {  	_ =	shalt  }
0x6f: {  	_ =	shalt  }
0x70: {  	_ =	shalt  }
0x71: {  	_ =	shalt  }
0x72: {  	_ =	shalt  }
0x73: {  	_ =	shalt  }
0x74: {  	_ =	shalt  }
0x75: {  	_ =	shalt  }
0x76: {  	_ =	shalt  }
0x77: {  	_ =	shalt  }
0x78: {  	_ =	shalt  }
0x79: {  	_ =	shalt  }
0x7a: {  	_ =	shalt  }
0x7b: {  	_ =	shalt  }
0x7c: {  	_ =	shalt  }
0x7d: {  	_ =	shalt  }
0x7e: {  	_ =	shalt  }
0x7f: {  	_ =	shalt  }
0x80: {  	_ =	shalt  }
0x81: {  	_ =	shalt  }
0x82: {  	_ =	shalt  }
0x83: {  	_ =	shalt  }
0x84: {  	_ =	shalt  }
0x85: {  	_ =	shalt  }
0x86: {  	_ =	shalt  }
0x87: {  	_ =	shalt  }
.Lfunc_end0:
.L_simem_size_0:
called_computation.1_lowered:
.L_overlay_start_0:
0x88: {  	s2 =	sld [smem:$0x3FD9]  }
0x89: {  	s3 =	sld [smem:$0x3FFE];
	_ =	sdelay $0x1  }
0x8a: {  	s1 =	srdreg.scid  }
0x8b: {  	s0 =	sand.u32 $0x1, s1  }
0x8c: {  	s16 =	sshll.u32 s0, $0xA;
	s2 =	sadd.s32 s3, s2  }
0x8d: {  	s2 =	sadd.s32 s2, s16  }
0x8e: {  	[smem:$0x3FBF] =	sst s2  }
0x8f: {  	_ = 	snop  }
0x90: {  	(tm) =	ssettm $0x1  }
0x91: {  	s17 =	sld [smem:$0x3FFB];
	_ =	sdelay $0x3  }
0x92: {  	_ =	strace s17  }
0x93: {  	s2 =	sld [smem:$0x3FFC];
	_ =	sdelay $0x3  }
0x94: {  	_ =	strace s2  }
0x95: {  	s2 =	sld [smem:$0x3FFD];
	_ =	sdelay $0x3  }
0x96: {  	_ =	strace s2  }
0x97: {  	_ =	strace $0x8FFFFFFF  }
0x98: {  	s18 =	sld [smem:$0x3FDB];
	_ =	sdelay $0x1  }
0x99: {  	s19 =	simm.s32 $_scs_section_size  }
0x9a: {  	s4 =	simm.s32 $_size__tile_overlayer_lowered;
	s5 =	simm.s32 $_tile_overlayer_lowered  }
0x9b: {  	s22 =	simm.s32 $0x1BFF;
	s21 =	sshll.u32 s5, $0x1;
	s2 =	sadd.s32 s19, s18  }
0x9c: {  	s6 =	simm.s32 $0x0;
	s20 =	sshll.u32 s4, $0x1;
	s4 =	sadd.s32 s21, s2  }
0x9d: {  	[timem:s6], [sflag:s22] =	dma.local [hbm:s4], s20  }
0x9e: {  	_ =	swait.ge [sflag:s22], s20  }
0x9f: {  	s3 =	ssub.s32 $0x0, s20;
	[sflag:s22] =	ssyncset.done $0x0  }
0xa0: {  	[sflag:s22] =	ssyncadd.s32 s3;
	_ =	sdelay $0x1  }
0xa1: {  	s23 =	simm.s32 $0x1B8B  }
0xa2: {  	_ =	swait.ge [sflag:s23], $0x1  }
0xa3: {  	[sflag:s23] =	ssyncset.done $0x0  }
0xa4: {  	s25 =	simm.s32 $0x1B8E;
	s24 =	sld [smem:$0x3FFE];
	[sflag:s23] =	ssyncadd.s32 $0xFFFFFFFF  }
0xa5: {  	s26 =	simm.s32 $execute0_lowered;
	[smem:$0x3FD2] =	sst s25  }
0xa6: {  	s4 =	sshll.u32 s26, $0x1;
	_ =	strace $0x80000049;
	[dreg:$0x1] =	wrdreg $0xFFFFFFFF  }
0xa7: {  	s28 =	simm.s32 $_size_execute0_lowered;
	s2 =	sadd.s32 s2, s4;
	[dreg:$0x0] =	wrdreg $0x0  }
0xa8: {  	s4 =	sshll.u32 s28, $0x1;
	[dreg:$0x2] =	wrdreg s2  }
0xa9: {  	[dreg:$0x3] =	wrdreg s4  }
0xaa: {  	[dreg:$0x4] =	wrdreg $0xC0  }
0xab: {  	_ =	task [dreg:s6], $0x5FFFF  }
0xac: {  	[dreg:$0x1] =	wrdreg $0xFFFFFFFF  }
0xad: {  	[dreg:$0x0] =	wrdreg $0x60  }
0xae: {  	[dreg:$0x2] =	wrdreg s24  }
0xaf: {  	[dreg:$0x3] =	wrdreg $0x0  }
0xb0: {  	[dreg:$0x4] =	wrdreg $0x9  }
0xb1: {  	_ =	task.clear_ibuf [dreg:s6], $0x5FFFF;
	_ =	strace $0x90000049  }
0xb2: {  	s29 =	simm.s32 $0x9;
	_ =	strace $0x8000004B  }
0xb3: {  	_ =	swait.ge [sflag:s29], $0x1  }
0xb4: {  	[sflag:s29] =	ssyncadd.s32 $0xFFFFFFFF  }
0xb5: {  	_ =	strace $0x9000004B  }
0xb6: {  	_ =	sfence  }
0xb7: {  	s30 =	sld [smem:$0x0];
	_ =	sdelay $0x2  }
0xb8: {  	s31 =	sshll.u32 s1, $0xD;
	s1 =	sshrl.u32 s1, $0x2  }
0xb9: {  	s3 =	sand.u32 $0x4000, s31;
	s1 =	sadd.s32 s1, s30  }
0xba: {  	s0 =	sor.u32 s3, s0;
	s1 =	sshll.u32 s1, $0x11  }
0xbb: {  	s0 =	sor.u32 s1, s0  }
0xbc: {  	s0 =	sadd.s32 $0x8F2B, s0  }
0xbd: {  	[sflag:s0] =	ssyncadd.remote.s32 $0x1  }
0xbe: {  	_ =	sfence.sel $0xFFFF  }
0xbf: {  	[dreg:$0x0] =	wrdreg $0xFFFFFFFF;
	(pc) =	sbr.abs _section_cstart, $3  }
0xc0: {  	[dreg:$0x1] =	wrdreg $0xFFFFFFFF  }
0xc1: {  	_ =	task.clear_ibuf [dreg:s6], $0x2FFFF;
	_ =	strace $0x9FFFFFFF  }
0xc2: {  	(tm) =	ssettm $0x7FFFFFFF  }
0xc3: {  	_ =	shalt  }
tec
execute0_lowered:
.L_overlay_start_1:
0x0: {  	(tag) =	ssettag $0x1  }
0x1: {  	s5 =	rddreg [dreg:$0x0]  }
0x2: {  	s2 =	rddreg [dreg:$0x1]  }
0x3: {  	s0 =	srdreg.scid;
	s1 =	rddreg [dreg:$0x2];
	s3 =	simm.s32 $0x0  }
0x4: {  	s13 =	simm.s32 $0x14080;
	s14 =	simm.s32 $0x14000;
	s6 =	sand.u32 $0x1, s0  }
0x5: {  	s15 =	simm.s32 $0x50;
	s0 =	stileid.u32;
	s4 =	smul.u32 $0x27100, s6  }
0x6: {  	s16 =	simm.s32 $0x14100;
	s17 =	simm.s32 $0x1;
	s7 =	smul.u32 $0x2710, s0  }
0x7: {  	s18 =	simm.s32 $0x2;
	[smem:$0x7FF] =	sst s3;
	s28 =	smul.u32 $0x14000, s0  }
0x8: {  	s19 =	simm.s32 $0x0;
	s8 =	smul.u32 $0x140000, s6;
	_ =	strace $0x8000004A  }
0x9: {  	s29 =	smul.u32 $0x50000, s0;
	s6 =	ssub.s32 $0x2, s6;
	s31 =	sshll.u32 s0, $0x6  }
0xa: {  	s30 =	sshrl.u32 s6, $0x1;
	s4 =	sadd.s32 s7, s4;
	s9 =	sshrl.u32 s28, $0x3  }
0xb: {  	s7 =	sadd.s32 s28, s8;
	s8 =	sshrl.u32 s29, $0x2;
	s11 =	ssub.s32 s6, s30  }
0xc: {  	s6 =	sor.u32 $0x1C03, s31;
	s4 =	sshrl.u32 s4, $0x3;
	s9 =	sadd.s32 s9, s5  }
0xd: {  	s7 =	sshrl.u32 s7, $0x3;
	s12 =	sadd.s32 s8, s2;
	s8 =	smax.u32 s11, $0x1  }
0xe: {  	s10 =	sadd.s32 s4, s5;
	s4 =	sadd.s32 $0x3C600, s5;
	s7 =	sadd.s32 s7, s5  }
0xf: {  	s5 =	sadd.s32 $0x14600, s9;
	s11 =	sshrl.u32 s12, $0x3;
	s12 =	simm.s32 $0x3  }
0x10: {  	s7 =	sadd.s32 $0x64600, s7;
	s9 =	sadd.s32 $0xA800, s10;
	s10 =	sadd.s32 $0xA00, s10  }
.LBB2_1:
0x11: {  	[spmem:s11], [sflag:s6] =	dma.local [hbm:s5], $0x2800  }
0x12: {  	_ =	swait.ge [sflag:s12], $0x2800  }
0x13: {  	[sflag:s12] =	ssyncset.done $0x0  }
0x14: {  	[sflag:s12] =	ssyncadd.s32 $0xFFFFD800  }
0x15: {  	s20 =	sadd.s32 $0x0, s10;
	[bflag:$0x0] =	sbarrier.arrive $0xFFFF  }
0x16: {  	[tilespmem:s13], [sflag:$0x2] =	stream.linear.gather [hbm4b:s20+s3], $0x50, $0x38;
	[tilespmem:$0x16900] =	vst v63  }
0x17: {  	s31 =	sadd.s32 $0x0, s9  }
0x18: {  	[tilespmem:s14], [sflag:$0x3] =	stream.linear.gather [hbm4b:s31+s3], $0x50, $0x38;
	[tilespmem:$0x16900] =	vst v63  }
0x19: {  	_ =	swait.ge [sflag:s12], $0x50  }
0x1a: {  	[sflag:s12] =	ssyncset.done $0x0  }
0x1b: {  	[sflag:s12] =	ssyncadd.s32 $0xFFFFFFB0  }
0x1c: {  	[tilespmem:s16], [sflag:$0x1] =	stream.indirect.gather [hbm4b:s4+s15], $0x80, s14, s15, $0xb8;
	[tilespmem:$0x16900] =	vst v63  }
0x1d: {  	_ =	swait.ge [sflag:s17], $0x2800  }
0x1e: {  	[sflag:s17] =	ssyncset.done $0x0  }
0x1f: {  	[sflag:s17] =	ssyncadd.s32 $0xFFFFD800  }
0x20: {  	_ =	swait.ge [sflag:s18], $0x50  }
0x21: {  	[sflag:s18] =	ssyncset.done $0x0  }
0x22: {  	[sflag:s18] =	ssyncadd.s32 $0xFFFFFFB0  }
0x23: {  	[spmem:s2] =	stream.indirect.scatter.add.f32 [tilespmem:s16], [sflag:$0x3], $0x80, s13, s15, $0xb8;
	[tilespmem:$0x16900] =	vst v63  }
0x24: {  	_ =	swait.ge [sflag:s12], $0x2800  }
0x25: {  	s21 =	simm.s32 $0x14;
	s20 =	simm.s32 $0xA;
	[sflag:s12] =	ssyncset.done $0x0  }
.LBB2_2:
0x26: {  	s22 =	sadd.s32 s20, s10  }
0x27: {  	[sflag:s12] =	ssyncadd.s32 $0xFFFFD800;
	s23 =	smov.u32 s21;
	s24 =	sadd.s32 $0xA, s21  }
0x28: {  	[tilespmem:s13], [sflag:$0x2] =	stream.linear.gather [hbm4b:s22+s3], $0x50, $0x38;
	[tilespmem:$0x16900] =	vst v63  }
0x29: {  	p0 =	sne.s32 s21, $0x4D8;
	s21 =	sadd.s32 s20, s9;
	s20 =	smov.u32 s23  }
0x2a: {  	[tilespmem:s14], [sflag:$0x3] =	stream.linear.gather [hbm4b:s21+s3], $0x50, $0x38;
	[tilespmem:$0x16900] =	vst v63  }
0x2b: {  	_ =	swait.ge [sflag:s12], $0x50  }
0x2c: {  	[sflag:s12] =	ssyncset.done $0x0  }
0x2d: {  	[sflag:s12] =	ssyncadd.s32 $0xFFFFFFB0  }
0x2e: {  	[tilespmem:s16], [sflag:$0x1] =	stream.indirect.gather [hbm4b:s4+s15], $0x80, s14, s15, $0xb8;
	[tilespmem:$0x16900] =	vst v63  }
0x2f: {  	_ =	swait.ge [sflag:s17], $0x2800  }
0x30: {  	[sflag:s17] =	ssyncset.done $0x0  }
0x31: {  	[sflag:s17] =	ssyncadd.s32 $0xFFFFD800  }
0x32: {  	_ =	swait.ge [sflag:s18], $0x50  }
.Ltmp0:
0x33: {  	[sflag:s18] =	ssyncset.done $0x0;
	(pc) =	sbr.rel @p0 .LBB2_2-.Ltmp0, $4  }
0x34: {  	[sflag:s18] =	ssyncadd.s32 $0xFFFFFFB0  }
0x35: {  	[spmem:s2] =	stream.indirect.scatter.add.f32 [tilespmem:s16], [sflag:$0x3], $0x80, s13, s15, $0xb8;
	[tilespmem:$0x16900] =	vst v63  }
0x36: {  	_ =	swait.ge [sflag:s12], $0x2800  }
0x37: {  	s21 =	smov.u32 s24;
	[sflag:s12] =	ssyncset.done $0x0  }
0x38: {  	s21 =	sadd.s32 s20, s10;
	[sflag:s12] =	ssyncadd.s32 $0xFFFFD800  }
0x39: {  	[tilespmem:s13], [sflag:$0x2] =	stream.linear.gather [hbm4b:s21+s3], $0x50, $0x38;
	[tilespmem:$0x16900] =	vst v63  }
0x3a: {  	s31 =	sadd.s32 s20, s9  }
0x3b: {  	[tilespmem:s14], [sflag:$0x3] =	stream.linear.gather [hbm4b:s31+s3], $0x50, $0x38;
	[tilespmem:$0x16900] =	vst v63  }
0x3c: {  	_ =	swait.ge [sflag:s12], $0x50  }
0x3d: {  	[sflag:s12] =	ssyncset.done $0x0  }
0x3e: {  	[sflag:s12] =	ssyncadd.s32 $0xFFFFFFB0  }
0x3f: {  	[tilespmem:s16], [sflag:$0x1] =	stream.indirect.gather [hbm4b:s4+s15], $0x80, s14, s15, $0xb8;
	[tilespmem:$0x16900] =	vst v63  }
0x40: {  	_ =	swait.ge [sflag:s17], $0x2800  }
0x41: {  	[sflag:s17] =	ssyncset.done $0x0  }
0x42: {  	[sflag:s17] =	ssyncadd.s32 $0xFFFFD800  }
0x43: {  	_ =	swait.ge [sflag:s18], $0x50  }
0x44: {  	[sflag:s18] =	ssyncset.done $0x0  }
0x45: {  	[sflag:s18] =	ssyncadd.s32 $0xFFFFFFB0  }
0x46: {  	[spmem:s2] =	stream.indirect.scatter.add.f32 [tilespmem:s16], [sflag:$0x3], $0x80, s13, s15, $0xb8;
	[tilespmem:$0x16900] =	vst v63  }
0x47: {  	_ =	swait.ge [sflag:s12], $0x2800  }
0x48: {  	s19 =	sadd.s32 $0x1, s19;
	[sflag:s12] =	ssyncset.done $0x0  }
0x49: {  	p0 =	sne.s32 s19, s8;
	[sflag:s12] =	ssyncadd.s32 $0xFFFFD800  }
.Ltmp1:
0x4a: {  	[bflag:$0x0] =	sbarrier.arrive $0xFFFF;
	(pc) =	sbr.rel @p0 .LBB2_1-.Ltmp1, $4  }
0x4b: {  	[hbm:s7], [sflag:s6] =	dma.local [spmem:s11], $0x2800  }
0x4c: {  	_ =	swait.ge [sflag:s12], $0x2800  }
0x4d: {  	[sflag:s12] =	ssyncset.done $0x0  }
0x4e: {  	[sflag:s12] =	ssyncadd.s32 $0xFFFFD800  }
0x4f: {  	_ =	sfence.sel $0x180000  }
0x50: {  	[bflag:$0x0] =	sbarrier.arrive $0xFFFF  }
0x51: {  	p0 =	sne.s32 s0, $0x0;
	_ =	strace $0x9000004A  }
0x52: {  	s0 =	sadd.s32 @!p0 $0x100000, s1;
	[bflag:$0x2] =	sbarrier.arrive $0xFFFF  }
0x53: {  	[sflag:s0] =	ssyncadd.tile.s32 @!p0 $0x1;
	_ =	shalt  }
.Lfunc_end2:
_tile_overlayer_lowered:
.L_overlay_start_2:
0x54: {  	(tag) =	ssettag $0x2  }
0x55: {  	s0 =	rddreg [dreg:$0x0];
	s2 =	stileid.u32  }
0x56: {  	s1 =	rddreg [dreg:$0x1];
	p0 =	sne.s32 s2, $0x0  }
0x57: {  	s3 =	rddreg [dreg:$0x2];
	[bflag:$0x3] =	sbarrier.arrive $0xFFFF;
	s2 =	simm.s32 @!p0 $0x1C03  }
0x58: {  	[timem:s3], [sflag:s2] =	dma.local @!p0 [hbm:s0], s1  }
0x59: {  	s0 =	simm.s32 @!p0 $0x3  }
0x5a: {  	_ =	swait.ge @!p0 [sflag:s0], s1  }
0x5b: {  	s1 =	ssub.s32 @!p0 $0x0, s1;
	[sflag:s0] =	ssyncset.done @!p0 $0x0  }
0x5c: {  	[sflag:s0] =	ssyncadd.s32 @!p0 s1  }
0x5d: {  	[bflag:$0x3] =	sbarrier.arrive $0xFFFF  }
0x5e: {  	_ =	shalt  }

</sc_bundles>
